<compile_context>
chip_gen: v7x
topology: tpu7x:2x2x1
jax: 0.10.2.dev20260603
libtpu: 0.0.44.dev20260713+nightly
codegen_flags: <defaults>
</compile_context>

<pallas_src>
import functools

import jax
import jax.numpy as jnp
from jax import lax
from jax.experimental import pallas as pl
from jax.experimental.pallas import tpu as pltpu
from jax.experimental.pallas import tpu_sc as plsc

N_CODES = 8192
DIM = 32
N_TOK = 16384
TOK_BLK = 512
CHUNK = 4096

SC_CORES = 2
SC_SUBCORES = 16
SC_LANES = 16
SC_TILES = SC_CORES * SC_SUBCORES
TOK_PER_TILE = N_TOK // SC_TILES
CNT_PER_SUB = N_CODES // SC_SUBCORES


def _argmin_body(zn_ref, z2bf_ref, cbt_ref, cbtbf_ref, idx_ref):
    zn = zn_ref[...]
    zb = z2bf_ref[...]
    acc_v = jnp.zeros((TOK_BLK, 1), jnp.float32)
    acc_i = jnp.zeros((TOK_BLK, 1), jnp.int32)
    for j in range(N_CODES // CHUNK):
        cb = cbt_ref[:, j * CHUNK:(j + 1) * CHUNK]
        cbbf = cbtbf_ref[:, j * CHUNK:(j + 1) * CHUNK]
        cn = jnp.sum(cb * cb, axis=0, keepdims=True)
        zc2 = lax.dot_general(zb, cbbf, (((1,), (0,)), ((), ())),
                              preferred_element_type=jnp.float32)
        d = (zn + cn) - zc2
        m = jnp.min(d, axis=1, keepdims=True)
        gi = lax.broadcasted_iota(jnp.int32, (TOK_BLK, CHUNK), 1)
        cand = jnp.where(d == m, gi, jnp.int32(2**30))
        i = jnp.min(cand, axis=1, keepdims=True) + (j * CHUNK)
        m_bf = m.astype(jnp.bfloat16).astype(jnp.float32)
        if j == 0:
            acc_v, acc_i = m_bf, i
        else:
            repl = m < acc_v
            acc_v = jnp.where(repl, m_bf, acc_v)
            acc_i = jnp.where(repl, i, acc_i)
    idx_ref[...] = acc_i


def _compute_indices(zn2d, z2bf, cbt, cbt_bf):
    return pl.pallas_call(
        _argmin_body,
        grid=(N_TOK // TOK_BLK,),
        in_specs=[
            pl.BlockSpec((TOK_BLK, 1), lambda i: (i, 0)),
            pl.BlockSpec((TOK_BLK, DIM), lambda i: (i, 0)),
            pl.BlockSpec((DIM, N_CODES), lambda i: (0, 0)),
            pl.BlockSpec((DIM, N_CODES), lambda i: (0, 0)),
        ],
        out_specs=pl.BlockSpec((TOK_BLK, 1), lambda i: (i, 0)),
        out_shape=jax.ShapeDtypeStruct((N_TOK, 1), jnp.int32),
        compiler_params=pltpu.CompilerParams(
            dimension_semantics=("parallel",)),
    )(zn2d, z2bf, cbt, cbt_bf)


def _sc_body(cb_hbm, idx_hbm, zq_hbm, counts_hbm,
             idx_v, rows_v, ones_v, zeros_v, shared_counts, sem):
    cid = lax.axis_index("c")
    sid = lax.axis_index("s")
    wid = sid * SC_CORES + cid
    base = wid * TOK_PER_TILE
    pltpu.sync_copy(idx_hbm.at[pl.ds(base, TOK_PER_TILE)], idx_v)
    pltpu.async_copy(cb_hbm.at[idx_v], rows_v, sem).wait()
    pltpu.sync_copy(rows_v, zq_hbm.at[pl.ds(base, TOK_PER_TILE)])
    for t in range(TOK_PER_TILE // SC_LANES):
        ones_v[pl.ds(t * SC_LANES, SC_LANES)] = jnp.ones((SC_LANES,), jnp.float32)
    for t in range(CNT_PER_SUB // SC_LANES):
        zeros_v[pl.ds(t * SC_LANES, SC_LANES)] = jnp.zeros((SC_LANES,), jnp.float32)
    pltpu.sync_copy(zeros_v, shared_counts.at[pl.ds(sid * CNT_PER_SUB, CNT_PER_SUB)])
    plsc.subcore_barrier()
    pltpu.sync_copy(ones_v, shared_counts.at[idx_v], add=True)
    plsc.subcore_barrier()
    @pl.when(sid == 0)
    def _():
        pltpu.sync_copy(shared_counts, counts_hbm.at[cid])


@functools.cache
def _sc_gather_hist():
    return pl.kernel(
        _sc_body,
        out_type=(
            jax.ShapeDtypeStruct((N_TOK, DIM), jnp.float32),
            jax.ShapeDtypeStruct((SC_CORES, N_CODES), jnp.float32),
        ),
        mesh=plsc.VectorSubcoreMesh(core_axis_name="c", subcore_axis_name="s"),
        compiler_params=pltpu.CompilerParams(use_tc_tiling_on_sc=False),
        scratch_types=[
            pltpu.VMEM((TOK_PER_TILE,), jnp.int32),
            pltpu.VMEM((TOK_PER_TILE, DIM), jnp.float32),
            pltpu.VMEM((TOK_PER_TILE,), jnp.float32),
            pltpu.VMEM((CNT_PER_SUB,), jnp.float32),
            pltpu.VMEM_SHARED((N_CODES,), jnp.float32),
            pltpu.SemaphoreType.DMA,
        ],
    )


def _finalize_body(z_ref, zq_ref, c2_ref, loss_ref, perp_ref):
    diff = z_ref[...] - zq_ref[...]
    commitment = jnp.mean(diff * diff)
    loss_ref[...] = jnp.full((1, 1), 0.25 * commitment, jnp.float32)
    counts = c2_ref[0:1, :] + c2_ref[1:2, :]
    avg = counts / float(N_TOK)
    ent = avg * jnp.log(avg + 1e-10)
    perp_ref[...] = jnp.full((1, 1), jnp.exp(-jnp.sum(ent)), jnp.float32)


def _finalize(zf, qf, counts2):
    return pl.pallas_call(
        _finalize_body,
        grid=(1,),
        in_specs=[
            pl.BlockSpec(zf.shape, lambda i: (0, 0)),
            pl.BlockSpec(qf.shape, lambda i: (0, 0)),
            pl.BlockSpec(counts2.shape, lambda i: (0, 0)),
        ],
        out_specs=[
            pl.BlockSpec((1, 1), lambda i: (0, 0)),
            pl.BlockSpec((1, 1), lambda i: (0, 0)),
        ],
        out_shape=[
            jax.ShapeDtypeStruct((1, 1), jnp.float32),
            jax.ShapeDtypeStruct((1, 1), jnp.float32),
        ],
    )(zf, qf, counts2)


def kernel(z, codebook):
    z2d = z.reshape(N_TOK, DIM)
    cbt = codebook.T
    zn2d = jnp.sum(z2d * z2d, axis=1).reshape(N_TOK, 1)
    z2bf = (2.0 * z2d).astype(jnp.bfloat16)
    cbt_bf = cbt.astype(jnp.bfloat16)
    idx2d = _compute_indices(zn2d, z2bf, cbt, cbt_bf)
    idx_flat = idx2d.reshape(N_TOK)
    z_q2d, counts2 = _sc_gather_hist()(codebook, idx_flat)
    zf = z2d.reshape(N_TOK * DIM // 512, 512)
    qf = z_q2d.reshape(N_TOK * DIM // 512, 512)
    loss2d, perp2d = _finalize(zf, qf, counts2)
    z_q = z_q2d.reshape(z.shape)
    z_q_st = z + lax.stop_gradient(z_q - z)
    loss = loss2d.reshape(())
    perplexity = perp2d.reshape(())
    encoding_indices = idx_flat.reshape(z.shape[:-1])
    return (z_q_st, loss, encoding_indices, perplexity)

# --- scband reference (transcript-rebuilt; emitter-appended) ---
"""Pipeline reference for scband-vector-quantizer-71021579207266 (READ-ONLY COPY).

The authoritative reference and input builder live on the scoring server;
editing this copy changes nothing except your own understanding.
"""

import jax, jax.numpy as jnp
import numpy as np

N_EMBEDDINGS = 8192
EMBEDDING_DIM = 32
COMMITMENT_COST = 0.25


def setup_inputs(seed: int = 0) -> dict:
    key = jax.random.key(seed)
    kz, kc = jax.random.split(key)
    z = jax.random.normal(kz, (16, 1024, EMBEDDING_DIM), dtype=jnp.float32)
    # codebook initialized uniform(-1/K, 1/K) like nn.init.uniform_
    codebook = jax.random.uniform(kc, (N_EMBEDDINGS, EMBEDDING_DIM), dtype=jnp.float32,
                                  minval=-1.0 / N_EMBEDDINGS, maxval=1.0 / N_EMBEDDINGS)
    return {"z": z, "codebook": codebook}


def reference(z, codebook):
    # eval-mode forward (no EMA buffer update)
    flat_z = z.reshape(-1, EMBEDDING_DIM)
    distances = (jnp.sum(flat_z ** 2, axis=1, keepdims=True)
                 + jnp.sum(codebook ** 2, axis=1)
                 - 2.0 * flat_z @ codebook.T)
    encoding_indices = jnp.argmin(distances, axis=1)
    z_q = jnp.take(codebook, encoding_indices, axis=0).reshape(z.shape)
    commitment_loss = jnp.mean((z - jax.lax.stop_gradient(z_q)) ** 2)
    loss = COMMITMENT_COST * commitment_loss
    z_q_st = z + jax.lax.stop_gradient(z_q - z)
    counts = jnp.zeros((N_EMBEDDINGS,), dtype=jnp.float32).at[encoding_indices].add(1.0)
    avg_probs = counts / flat_z.shape[0]
    perplexity = jnp.exp(-jnp.sum(avg_probs * jnp.log(avg_probs + 1e-10)))
    encoding_indices_out = encoding_indices.reshape(z.shape[:-1])
    return (z_q_st, loss, encoding_indices_out, perplexity)

if __name__ == "__main__":
    import jax
    _d = setup_inputs()
    print(jax.jit(kernel)(*tuple(_d.values())))

</pallas_src>

<mosaic_0001>
#map = affine_map<(d0, d1) -> (0, 0)>
#map1 = affine_map<(d0, d1) -> (0)>
module attributes {stable_mosaic.version = 14 : i64} {
  func.func @_sc_body(%arg0: i32, %arg1: i32, %arg2: memref<8192x32xf32, #tpu.memory_space<hbm>>, %arg3: memref<16384xi32, #tpu.memory_space<hbm>>, %arg4: memref<16384x32xf32, #tpu.memory_space<hbm>>, %arg5: memref<2x8192xf32, #tpu.memory_space<hbm>>, %arg6: memref<512xi32, #tpu.memory_space<vmem>>, %arg7: memref<512x32xf32, #tpu.memory_space<vmem>>, %arg8: memref<512xf32, #tpu.memory_space<vmem>>, %arg9: memref<512xf32, #tpu.memory_space<vmem>>, %arg10: memref<8192xf32, #tpu.memory_space<vmem_shared>>, %arg11: memref<!tpu.dma_semaphore, #tpu.memory_space<semaphore_mem>>) attributes {dimension_semantics = [#tpu.dimension_semantics<core_parallel>, #tpu.dimension_semantics<subcore_parallel>], iteration_bounds = array<i64: 2, 16>, scalar_prefetch = 0 : i64, scratch_operands = 6 : i64, tpu.core_type = #tpu.core_type<sc_vector_subcore>, window_params = [{transform_indices = #map}, {transform_indices = #map1}, {transform_indices = #map}, {transform_indices = #map}]} {
    %mul3A = arith.constant 2 : i32
    %mul3A_0 = arith.muli %arg1, %mul3A : i32
    %add3A = arith.addi %mul3A_0, %arg0 : i32
    %mul3A_1 = arith.constant 512 : i32
    %mul3A_2 = arith.muli %add3A, %mul3A_1 : i32
    "tpu.region"() ({
      %run_scoped3A = tpu.sem_alloc : memref<!tpu.dma_semaphore, #tpu.memory_space<semaphore_mem>>
      %dma_start3A_394 = tpu.memref_slice %arg3[%mul3A_2] : memref<16384xi32, #tpu.memory_space<hbm>> -> memref<512xi32, #tpu.memory_space<hbm>>
      %dma_start3A_395 = tpu.memref_slice %arg3[%mul3A_2] : memref<16384xi32, #tpu.memory_space<hbm>> -> memref<512xi32, #tpu.memory_space<hbm>>
      tpu.enqueue_dma source(%dma_start3A_395 : memref<512xi32, #tpu.memory_space<hbm>>) target(%arg6 : memref<512xi32, #tpu.memory_space<vmem>>) target_semaphore(%run_scoped3A : memref<!tpu.dma_semaphore, #tpu.memory_space<semaphore_mem>>)
      %dma_wait3A_396 = tpu.memref_slice %arg3[%mul3A_2] : memref<16384xi32, #tpu.memory_space<hbm>> -> memref<512xi32, #tpu.memory_space<hbm>>
      %dma_wait3A_397 = tpu.memref_slice %arg3[%mul3A_2] : memref<16384xi32, #tpu.memory_space<hbm>> -> memref<512xi32, #tpu.memory_space<hbm>>
      tpu.wait_dma2 semaphore(%run_scoped3A : memref<!tpu.dma_semaphore, #tpu.memory_space<semaphore_mem>>) src(%dma_wait3A_397 : memref<512xi32, #tpu.memory_space<hbm>>) dst(%arg6 : memref<512xi32, #tpu.memory_space<vmem>>)
      tpu.yield
    }) : () -> ()
    %dma_start3A = arith.constant 0 : i32
    %dma_start3A_3 = arith.constant 0 : i32
    %dma_start3A_4 = tpu.memref_slice %arg2[%dma_start3A, %dma_start3A_3] : memref<8192x32xf32, #tpu.memory_space<hbm>> -> memref<8192x32xf32, #tpu.memory_space<hbm>>
    tpu.enqueue_indirect_dma source(%dma_start3A_4 : memref<8192x32xf32, #tpu.memory_space<hbm>>) target(%arg7 : memref<512x32xf32, #tpu.memory_space<vmem>>) offsets(%arg6 : memref<512xi32, #tpu.memory_space<vmem>>) semaphore(%arg11 : memref<!tpu.dma_semaphore, #tpu.memory_space<semaphore_mem>>)
    %dma_wait3A = arith.constant 0 : i32
    %dma_wait3A_5 = arith.constant 0 : i32
    %dma_wait3A_6 = tpu.memref_slice %arg2[%dma_wait3A, %dma_wait3A_5] : memref<8192x32xf32, #tpu.memory_space<hbm>> -> memref<8192x32xf32, #tpu.memory_space<hbm>>
    tpu.wait_indirect_dma semaphore(%arg11 : memref<!tpu.dma_semaphore, #tpu.memory_space<semaphore_mem>>) src(%dma_wait3A_6 : memref<8192x32xf32, #tpu.memory_space<hbm>>) dst(%arg7 : memref<512x32xf32, #tpu.memory_space<vmem>>)
    "tpu.region"() ({
      %run_scoped3A = tpu.sem_alloc : memref<!tpu.dma_semaphore, #tpu.memory_space<semaphore_mem>>
      %dma_start3A_394 = arith.constant 0 : i32
      %dma_start3A_395 = tpu.memref_slice %arg4[%mul3A_2, %dma_start3A_394] : memref<16384x32xf32, #tpu.memory_space<hbm>> -> memref<512x32xf32, #tpu.memory_space<hbm>>
      %dma_start3A_396 = arith.constant 0 : i32
      %dma_start3A_397 = tpu.memref_slice %arg4[%mul3A_2, %dma_start3A_396] : memref<16384x32xf32, #tpu.memory_space<hbm>> -> memref<512x32xf32, #tpu.memory_space<hbm>>
      tpu.enqueue_dma source(%arg7 : memref<512x32xf32, #tpu.memory_space<vmem>>) target(%dma_start3A_397 : memref<512x32xf32, #tpu.memory_space<hbm>>) target_semaphore(%run_scoped3A : memref<!tpu.dma_semaphore, #tpu.memory_space<semaphore_mem>>)
      %dma_wait3A_398 = arith.constant 0 : i32
      %dma_wait3A_399 = tpu.memref_slice %arg4[%mul3A_2, %dma_wait3A_398] : memref<16384x32xf32, #tpu.memory_space<hbm>> -> memref<512x32xf32, #tpu.memory_space<hbm>>
      %dma_wait3A_400 = arith.constant 0 : i32
      %dma_wait3A_401 = tpu.memref_slice %arg4[%mul3A_2, %dma_wait3A_400] : memref<16384x32xf32, #tpu.memory_space<hbm>> -> memref<512x32xf32, #tpu.memory_space<hbm>>
      tpu.wait_dma2 semaphore(%run_scoped3A : memref<!tpu.dma_semaphore, #tpu.memory_space<semaphore_mem>>) src(%arg7 : memref<512x32xf32, #tpu.memory_space<vmem>>) dst(%dma_wait3A_401 : memref<512x32xf32, #tpu.memory_space<hbm>>)
      tpu.yield
    }) : () -> ()
    %broadcast_in_dim3A = arith.constant 1.000000e+00 : f32
    %broadcast_in_dim3A_7 = vector.broadcast %broadcast_in_dim3A : f32 to vector<16xf32>
    %swap3A = arith.constant 0 : index
    %swap3A_8 = tpu.vector_load %arg8[%swap3A] {strides = array<i32>} : memref<512xf32, #tpu.memory_space<vmem>>, vector<16xf32>,
    %swap3A_9 = vector.shape_cast %swap3A_8 : vector<16xf32> to vector<16xf32>
    %swap3A_10 = vector.shape_cast %broadcast_in_dim3A_7 : vector<16xf32> to vector<16xf32>
    tpu.vector_store %arg8[%swap3A], %swap3A_10 {strides = array<i32>} : memref<512xf32, #tpu.memory_space<vmem>>, vector<16xf32>,
    %broadcast_in_dim3A_11 = arith.constant 1.000000e+00 : f32
    %broadcast_in_dim3A_12 = vector.broadcast %broadcast_in_dim3A_11 : f32 to vector<16xf32>
    %swap3A_13 = arith.constant 16 : index
    %swap3A_14 = tpu.vector_load %arg8[%swap3A_13] {strides = array<i32>} : memref<512xf32, #tpu.memory_space<vmem>>, vector<16xf32>,
    %swap3A_15 = vector.shape_cast %swap3A_14 : vector<16xf32> to vector<16xf32>
    %swap3A_16 = vector.shape_cast %broadcast_in_dim3A_12 : vector<16xf32> to vector<16xf32>
    tpu.vector_store %arg8[%swap3A_13], %swap3A_16 {strides = array<i32>} : memref<512xf32, #tpu.memory_space<vmem>>, vector<16xf32>,
    %broadcast_in_dim3A_17 = arith.constant 1.000000e+00 : f32
    %broadcast_in_dim3A_18 = vector.broadcast %broadcast_in_dim3A_17 : f32 to vector<16xf32>
    %swap3A_19 = arith.constant 32 : index
    %swap3A_20 = tpu.vector_load %arg8[%swap3A_19] {strides = array<i32>} : memref<512xf32, #tpu.memory_space<vmem>>, vector<16xf32>,
    %swap3A_21 = vector.shape_cast %swap3A_20 : vector<16xf32> to vector<16xf32>
    %swap3A_22 = vector.shape_cast %broadcast_in_dim3A_18 : vector<16xf32> to vector<16xf32>
    tpu.vector_store %arg8[%swap3A_19], %swap3A_22 {strides = array<i32>} : memref<512xf32, #tpu.memory_space<vmem>>, vector<16xf32>,
    %broadcast_in_dim3A_23 = arith.constant 1.000000e+00 : f32
    %broadcast_in_dim3A_24 = vector.broadcast %broadcast_in_dim3A_23 : f32 to vector<16xf32>
    %swap3A_25 = arith.constant 48 : index
    %swap3A_26 = tpu.vector_load %arg8[%swap3A_25] {strides = array<i32>} : memref<512xf32, #tpu.memory_space<vmem>>, vector<16xf32>,
    %swap3A_27 = vector.shape_cast %swap3A_26 : vector<16xf32> to vector<16xf32>
    %swap3A_28 = vector.shape_cast %broadcast_in_dim3A_24 : vector<16xf32> to vector<16xf32>
    tpu.vector_store %arg8[%swap3A_25], %swap3A_28 {strides = array<i32>} : memref<512xf32, #tpu.memory_space<vmem>>, vector<16xf32>,
    %broadcast_in_dim3A_29 = arith.constant 1.000000e+00 : f32
    %broadcast_in_dim3A_30 = vector.broadcast %broadcast_in_dim3A_29 : f32 to vector<16xf32>
    %swap3A_31 = arith.constant 64 : index
    %swap3A_32 = tpu.vector_load %arg8[%swap3A_31] {strides = array<i32>} : memref<512xf32, #tpu.memory_space<vmem>>, vector<16xf32>,
    %swap3A_33 = vector.shape_cast %swap3A_32 : vector<16xf32> to vector<16xf32>
    %swap3A_34 = vector.shape_cast %broadcast_in_dim3A_30 : vector<16xf32> to vector<16xf32>
    tpu.vector_store %arg8[%swap3A_31], %swap3A_34 {strides = array<i32>} : memref<512xf32, #tpu.memory_space<vmem>>, vector<16xf32>,
    %broadcast_in_dim3A_35 = arith.constant 1.000000e+00 : f32
    %broadcast_in_dim3A_36 = vector.broadcast %broadcast_in_dim3A_35 : f32 to vector<16xf32>
    %swap3A_37 = arith.constant 80 : index
    %swap3A_38 = tpu.vector_load %arg8[%swap3A_37] {strides = array<i32>} : memref<512xf32, #tpu.memory_space<vmem>>, vector<16xf32>,
    %swap3A_39 = vector.shape_cast %swap3A_38 : vector<16xf32> to vector<16xf32>
    %swap3A_40 = vector.shape_cast %broadcast_in_dim3A_36 : vector<16xf32> to vector<16xf32>
    tpu.vector_store %arg8[%swap3A_37], %swap3A_40 {strides = array<i32>} : memref<512xf32, #tpu.memory_space<vmem>>, vector<16xf32>,
    %broadcast_in_dim3A_41 = arith.constant 1.000000e+00 : f32
    %broadcast_in_dim3A_42 = vector.broadcast %broadcast_in_dim3A_41 : f32 to vector<16xf32>
    %swap3A_43 = arith.constant 96 : index
    %swap3A_44 = tpu.vector_load %arg8[%swap3A_43] {strides = array<i32>} : memref<512xf32, #tpu.memory_space<vmem>>, vector<16xf32>,
    %swap3A_45 = vector.shape_cast %swap3A_44 : vector<16xf32> to vector<16xf32>
    %swap3A_46 = vector.shape_cast %broadcast_in_dim3A_42 : vector<16xf32> to vector<16xf32>
    tpu.vector_store %arg8[%swap3A_43], %swap3A_46 {strides = array<i32>} : memref<512xf32, #tpu.memory_space<vmem>>, vector<16xf32>,
    %broadcast_in_dim3A_47 = arith.constant 1.000000e+00 : f32
    %broadcast_in_dim3A_48 = vector.broadcast %broadcast_in_dim3A_47 : f32 to vector<16xf32>
    %swap3A_49 = arith.constant 112 : index
    %swap3A_50 = tpu.vector_load %arg8[%swap3A_49] {strides = array<i32>} : memref<512xf32, #tpu.memory_space<vmem>>, vector<16xf32>,
    %swap3A_51 = vector.shape_cast %swap3A_50 : vector<16xf32> to vector<16xf32>
    %swap3A_52 = vector.shape_cast %broadcast_in_dim3A_48 : vector<16xf32> to vector<16xf32>
    tpu.vector_store %arg8[%swap3A_49], %swap3A_52 {strides = array<i32>} : memref<512xf32, #tpu.memory_space<vmem>>, vector<16xf32>,
    %broadcast_in_dim3A_53 = arith.constant 1.000000e+00 : f32
    %broadcast_in_dim3A_54 = vector.broadcast %broadcast_in_dim3A_53 : f32 to vector<16xf32>
    %swap3A_55 = arith.constant 128 : index
    %swap3A_56 = tpu.vector_load %arg8[%swap3A_55] {strides = array<i32>} : memref<512xf32, #tpu.memory_space<vmem>>, vector<16xf32>,
    %swap3A_57 = vector.shape_cast %swap3A_56 : vector<16xf32> to vector<16xf32>
    %swap3A_58 = vector.shape_cast %broadcast_in_dim3A_54 : vector<16xf32> to vector<16xf32>
    tpu.vector_store %arg8[%swap3A_55], %swap3A_58 {strides = array<i32>} : memref<512xf32, #tpu.memory_space<vmem>>, vector<16xf32>,
    %broadcast_in_dim3A_59 = arith.constant 1.000000e+00 : f32
    %broadcast_in_dim3A_60 = vector.broadcast %broadcast_in_dim3A_59 : f32 to vector<16xf32>
    %swap3A_61 = arith.constant 144 : index
    %swap3A_62 = tpu.vector_load %arg8[%swap3A_61] {strides = array<i32>} : memref<512xf32, #tpu.memory_space<vmem>>, vector<16xf32>,
    %swap3A_63 = vector.shape_cast %swap3A_62 : vector<16xf32> to vector<16xf32>
    %swap3A_64 = vector.shape_cast %broadcast_in_dim3A_60 : vector<16xf32> to vector<16xf32>
    tpu.vector_store %arg8[%swap3A_61], %swap3A_64 {strides = array<i32>} : memref<512xf32, #tpu.memory_space<vmem>>, vector<16xf32>,
    %broadcast_in_dim3A_65 = arith.constant 1.000000e+00 : f32
    %broadcast_in_dim3A_66 = vector.broadcast %broadcast_in_dim3A_65 : f32 to vector<16xf32>
    %swap3A_67 = arith.constant 160 : index
    %swap3A_68 = tpu.vector_load %arg8[%swap3A_67] {strides = array<i32>} : memref<512xf32, #tpu.memory_space<vmem>>, vector<16xf32>,
    %swap3A_69 = vector.shape_cast %swap3A_68 : vector<16xf32> to vector<16xf32>
    %swap3A_70 = vector.shape_cast %broadcast_in_dim3A_66 : vector<16xf32> to vector<16xf32>
    tpu.vector_store %arg8[%swap3A_67], %swap3A_70 {strides = array<i32>} : memref<512xf32, #tpu.memory_space<vmem>>, vector<16xf32>,
    %broadcast_in_dim3A_71 = arith.constant 1.000000e+00 : f32
    %broadcast_in_dim3A_72 = vector.broadcast %broadcast_in_dim3A_71 : f32 to vector<16xf32>
    %swap3A_73 = arith.constant 176 : index
    %swap3A_74 = tpu.vector_load %arg8[%swap3A_73] {strides = array<i32>} : memref<512xf32, #tpu.memory_space<vmem>>, vector<16xf32>,
    %swap3A_75 = vector.shape_cast %swap3A_74 : vector<16xf32> to vector<16xf32>
    %swap3A_76 = vector.shape_cast %broadcast_in_dim3A_72 : vector<16xf32> to vector<16xf32>
    tpu.vector_store %arg8[%swap3A_73], %swap3A_76 {strides = array<i32>} : memref<512xf32, #tpu.memory_space<vmem>>, vector<16xf32>,
    %broadcast_in_dim3A_77 = arith.constant 1.000000e+00 : f32
    %broadcast_in_dim3A_78 = vector.broadcast %broadcast_in_dim3A_77 : f32 to vector<16xf32>
    %swap3A_79 = arith.constant 192 : index
    %swap3A_80 = tpu.vector_load %arg8[%swap3A_79] {strides = array<i32>} : memref<512xf32, #tpu.memory_space<vmem>>, vector<16xf32>,
    %swap3A_81 = vector.shape_cast %swap3A_80 : vector<16xf32> to vector<16xf32>
    %swap3A_82 = vector.shape_cast %broadcast_in_dim3A_78 : vector<16xf32> to vector<16xf32>
    tpu.vector_store %arg8[%swap3A_79], %swap3A_82 {strides = array<i32>} : memref<512xf32, #tpu.memory_space<vmem>>, vector<16xf32>,
    %broadcast_in_dim3A_83 = arith.constant 1.000000e+00 : f32
    %broadcast_in_dim3A_84 = vector.broadcast %broadcast_in_dim3A_83 : f32 to vector<16xf32>
    %swap3A_85 = arith.constant 208 : index
    %swap3A_86 = tpu.vector_load %arg8[%swap3A_85] {strides = array<i32>} : memref<512xf32, #tpu.memory_space<vmem>>, vector<16xf32>,
    %swap3A_87 = vector.shape_cast %swap3A_86 : vector<16xf32> to vector<16xf32>
    %swap3A_88 = vector.shape_cast %broadcast_in_dim3A_84 : vector<16xf32> to vector<16xf32>
    tpu.vector_store %arg8[%swap3A_85], %swap3A_88 {strides = array<i32>} : memref<512xf32, #tpu.memory_space<vmem>>, vector<16xf32>,
    %broadcast_in_dim3A_89 = arith.constant 1.000000e+00 : f32
    %broadcast_in_dim3A_90 = vector.broadcast %broadcast_in_dim3A_89 : f32 to vector<16xf32>
    %swap3A_91 = arith.constant 224 : index
    %swap3A_92 = tpu.vector_load %arg8[%swap3A_91] {strides = array<i32>} : memref<512xf32, #tpu.memory_space<vmem>>, vector<16xf32>,
    %swap3A_93 = vector.shape_cast %swap3A_92 : vector<16xf32> to vector<16xf32>
    %swap3A_94 = vector.shape_cast %broadcast_in_dim3A_90 : vector<16xf32> to vector<16xf32>
    tpu.vector_store %arg8[%swap3A_91], %swap3A_94 {strides = array<i32>} : memref<512xf32, #tpu.memory_space<vmem>>, vector<16xf32>,
    %broadcast_in_dim3A_95 = arith.constant 1.000000e+00 : f32
    %broadcast_in_dim3A_96 = vector.broadcast %broadcast_in_dim3A_95 : f32 to vector<16xf32>
    %swap3A_97 = arith.constant 240 : index
    %swap3A_98 = tpu.vector_load %arg8[%swap3A_97] {strides = array<i32>} : memref<512xf32, #tpu.memory_space<vmem>>, vector<16xf32>,
    %swap3A_99 = vector.shape_cast %swap3A_98 : vector<16xf32> to vector<16xf32>
    %swap3A_100 = vector.shape_cast %broadcast_in_dim3A_96 : vector<16xf32> to vector<16xf32>
    tpu.vector_store %arg8[%swap3A_97], %swap3A_100 {strides = array<i32>} : memref<512xf32, #tpu.memory_space<vmem>>, vector<16xf32>,
    %broadcast_in_dim3A_101 = arith.constant 1.000000e+00 : f32
    %broadcast_in_dim3A_102 = vector.broadcast %broadcast_in_dim3A_101 : f32 to vector<16xf32>
    %swap3A_103 = arith.constant 256 : index
    %swap3A_104 = tpu.vector_load %arg8[%swap3A_103] {strides = array<i32>} : memref<512xf32, #tpu.memory_space<vmem>>, vector<16xf32>,
    %swap3A_105 = vector.shape_cast %swap3A_104 : vector<16xf32> to vector<16xf32>
    %swap3A_106 = vector.shape_cast %broadcast_in_dim3A_102 : vector<16xf32> to vector<16xf32>
    tpu.vector_store %arg8[%swap3A_103], %swap3A_106 {strides = array<i32>} : memref<512xf32, #tpu.memory_space<vmem>>, vector<16xf32>,
    %broadcast_in_dim3A_107 = arith.constant 1.000000e+00 : f32
    %broadcast_in_dim3A_108 = vector.broadcast %broadcast_in_dim3A_107 : f32 to vector<16xf32>
    %swap3A_109 = arith.constant 272 : index
    %swap3A_110 = tpu.vector_load %arg8[%swap3A_109] {strides = array<i32>} : memref<512xf32, #tpu.memory_space<vmem>>, vector<16xf32>,
    %swap3A_111 = vector.shape_cast %swap3A_110 : vector<16xf32> to vector<16xf32>
    %swap3A_112 = vector.shape_cast %broadcast_in_dim3A_108 : vector<16xf32> to vector<16xf32>
    tpu.vector_store %arg8[%swap3A_109], %swap3A_112 {strides = array<i32>} : memref<512xf32, #tpu.memory_space<vmem>>, vector<16xf32>,
    %broadcast_in_dim3A_113 = arith.constant 1.000000e+00 : f32
    %broadcast_in_dim3A_114 = vector.broadcast %broadcast_in_dim3A_113 : f32 to vector<16xf32>
    %swap3A_115 = arith.constant 288 : index
    %swap3A_116 = tpu.vector_load %arg8[%swap3A_115] {strides = array<i32>} : memref<512xf32, #tpu.memory_space<vmem>>, vector<16xf32>,
    %swap3A_117 = vector.shape_cast %swap3A_116 : vector<16xf32> to vector<16xf32>
    %swap3A_118 = vector.shape_cast %broadcast_in_dim3A_114 : vector<16xf32> to vector<16xf32>
    tpu.vector_store %arg8[%swap3A_115], %swap3A_118 {strides = array<i32>} : memref<512xf32, #tpu.memory_space<vmem>>, vector<16xf32>,
    %broadcast_in_dim3A_119 = arith.constant 1.000000e+00 : f32
    %broadcast_in_dim3A_120 = vector.broadcast %broadcast_in_dim3A_119 : f32 to vector<16xf32>
    %swap3A_121 = arith.constant 304 : index
    %swap3A_122 = tpu.vector_load %arg8[%swap3A_121] {strides = array<i32>} : memref<512xf32, #tpu.memory_space<vmem>>, vector<16xf32>,
    %swap3A_123 = vector.shape_cast %swap3A_122 : vector<16xf32> to vector<16xf32>
    %swap3A_124 = vector.shape_cast %broadcast_in_dim3A_120 : vector<16xf32> to vector<16xf32>
    tpu.vector_store %arg8[%swap3A_121], %swap3A_124 {strides = array<i32>} : memref<512xf32, #tpu.memory_space<vmem>>, vector<16xf32>,
    %broadcast_in_dim3A_125 = arith.constant 1.000000e+00 : f32
    %broadcast_in_dim3A_126 = vector.broadcast %broadcast_in_dim3A_125 : f32 to vector<16xf32>
    %swap3A_127 = arith.constant 320 : index
    %swap3A_128 = tpu.vector_load %arg8[%swap3A_127] {strides = array<i32>} : memref<512xf32, #tpu.memory_space<vmem>>, vector<16xf32>,
    %swap3A_129 = vector.shape_cast %swap3A_128 : vector<16xf32> to vector<16xf32>
    %swap3A_130 = vector.shape_cast %broadcast_in_dim3A_126 : vector<16xf32> to vector<16xf32>
    tpu.vector_store %arg8[%swap3A_127], %swap3A_130 {strides = array<i32>} : memref<512xf32, #tpu.memory_space<vmem>>, vector<16xf32>,
    %broadcast_in_dim3A_131 = arith.constant 1.000000e+00 : f32
    %broadcast_in_dim3A_132 = vector.broadcast %broadcast_in_dim3A_131 : f32 to vector<16xf32>
    %swap3A_133 = arith.constant 336 : index
    %swap3A_134 = tpu.vector_load %arg8[%swap3A_133] {strides = array<i32>} : memref<512xf32, #tpu.memory_space<vmem>>, vector<16xf32>,
    %swap3A_135 = vector.shape_cast %swap3A_134 : vector<16xf32> to vector<16xf32>
    %swap3A_136 = vector.shape_cast %broadcast_in_dim3A_132 : vector<16xf32> to vector<16xf32>
    tpu.vector_store %arg8[%swap3A_133], %swap3A_136 {strides = array<i32>} : memref<512xf32, #tpu.memory_space<vmem>>, vector<16xf32>,
    %broadcast_in_dim3A_137 = arith.constant 1.000000e+00 : f32
    %broadcast_in_dim3A_138 = vector.broadcast %broadcast_in_dim3A_137 : f32 to vector<16xf32>
    %swap3A_139 = arith.constant 352 : index
    %swap3A_140 = tpu.vector_load %arg8[%swap3A_139] {strides = array<i32>} : memref<512xf32, #tpu.memory_space<vmem>>, vector<16xf32>,
    %swap3A_141 = vector.shape_cast %swap3A_140 : vector<16xf32> to vector<16xf32>
    %swap3A_142 = vector.shape_cast %broadcast_in_dim3A_138 : vector<16xf32> to vector<16xf32>
    tpu.vector_store %arg8[%swap3A_139], %swap3A_142 {strides = array<i32>} : memref<512xf32, #tpu.memory_space<vmem>>, vector<16xf32>,
    %broadcast_in_dim3A_143 = arith.constant 1.000000e+00 : f32
    %broadcast_in_dim3A_144 = vector.broadcast %broadcast_in_dim3A_143 : f32 to vector<16xf32>
    %swap3A_145 = arith.constant 368 : index
    %swap3A_146 = tpu.vector_load %arg8[%swap3A_145] {strides = array<i32>} : memref<512xf32, #tpu.memory_space<vmem>>, vector<16xf32>,
    %swap3A_147 = vector.shape_cast %swap3A_146 : vector<16xf32> to vector<16xf32>
    %swap3A_148 = vector.shape_cast %broadcast_in_dim3A_144 : vector<16xf32> to vector<16xf32>
    tpu.vector_store %arg8[%swap3A_145], %swap3A_148 {strides = array<i32>} : memref<512xf32, #tpu.memory_space<vmem>>, vector<16xf32>,
    %broadcast_in_dim3A_149 = arith.constant 1.000000e+00 : f32
    %broadcast_in_dim3A_150 = vector.broadcast %broadcast_in_dim3A_149 : f32 to vector<16xf32>
    %swap3A_151 = arith.constant 384 : index
    %swap3A_152 = tpu.vector_load %arg8[%swap3A_151] {strides = array<i32>} : memref<512xf32, #tpu.memory_space<vmem>>, vector<16xf32>,
    %swap3A_153 = vector.shape_cast %swap3A_152 : vector<16xf32> to vector<16xf32>
    %swap3A_154 = vector.shape_cast %broadcast_in_dim3A_150 : vector<16xf32> to vector<16xf32>
    tpu.vector_store %arg8[%swap3A_151], %swap3A_154 {strides = array<i32>} : memref<512xf32, #tpu.memory_space<vmem>>, vector<16xf32>,
    %broadcast_in_dim3A_155 = arith.constant 1.000000e+00 : f32
    %broadcast_in_dim3A_156 = vector.broadcast %broadcast_in_dim3A_155 : f32 to vector<16xf32>
    %swap3A_157 = arith.constant 400 : index
    %swap3A_158 = tpu.vector_load %arg8[%swap3A_157] {strides = array<i32>} : memref<512xf32, #tpu.memory_space<vmem>>, vector<16xf32>,
    %swap3A_159 = vector.shape_cast %swap3A_158 : vector<16xf32> to vector<16xf32>
    %swap3A_160 = vector.shape_cast %broadcast_in_dim3A_156 : vector<16xf32> to vector<16xf32>
    tpu.vector_store %arg8[%swap3A_157], %swap3A_160 {strides = array<i32>} : memref<512xf32, #tpu.memory_space<vmem>>, vector<16xf32>,
    %broadcast_in_dim3A_161 = arith.constant 1.000000e+00 : f32
    %broadcast_in_dim3A_162 = vector.broadcast %broadcast_in_dim3A_161 : f32 to vector<16xf32>
    %swap3A_163 = arith.constant 416 : index
    %swap3A_164 = tpu.vector_load %arg8[%swap3A_163] {strides = array<i32>} : memref<512xf32, #tpu.memory_space<vmem>>, vector<16xf32>,
    %swap3A_165 = vector.shape_cast %swap3A_164 : vector<16xf32> to vector<16xf32>
    %swap3A_166 = vector.shape_cast %broadcast_in_dim3A_162 : vector<16xf32> to vector<16xf32>
    tpu.vector_store %arg8[%swap3A_163], %swap3A_166 {strides = array<i32>} : memref<512xf32, #tpu.memory_space<vmem>>, vector<16xf32>,
    %broadcast_in_dim3A_167 = arith.constant 1.000000e+00 : f32
    %broadcast_in_dim3A_168 = vector.broadcast %broadcast_in_dim3A_167 : f32 to vector<16xf32>
    %swap3A_169 = arith.constant 432 : index
    %swap3A_170 = tpu.vector_load %arg8[%swap3A_169] {strides = array<i32>} : memref<512xf32, #tpu.memory_space<vmem>>, vector<16xf32>,
    %swap3A_171 = vector.shape_cast %swap3A_170 : vector<16xf32> to vector<16xf32>
    %swap3A_172 = vector.shape_cast %broadcast_in_dim3A_168 : vector<16xf32> to vector<16xf32>
    tpu.vector_store %arg8[%swap3A_169], %swap3A_172 {strides = array<i32>} : memref<512xf32, #tpu.memory_space<vmem>>, vector<16xf32>,
    %broadcast_in_dim3A_173 = arith.constant 1.000000e+00 : f32
    %broadcast_in_dim3A_174 = vector.broadcast %broadcast_in_dim3A_173 : f32 to vector<16xf32>
    %swap3A_175 = arith.constant 448 : index
    %swap3A_176 = tpu.vector_load %arg8[%swap3A_175] {strides = array<i32>} : memref<512xf32, #tpu.memory_space<vmem>>, vector<16xf32>,
    %swap3A_177 = vector.shape_cast %swap3A_176 : vector<16xf32> to vector<16xf32>
    %swap3A_178 = vector.shape_cast %broadcast_in_dim3A_174 : vector<16xf32> to vector<16xf32>
    tpu.vector_store %arg8[%swap3A_175], %swap3A_178 {strides = array<i32>} : memref<512xf32, #tpu.memory_space<vmem>>, vector<16xf32>,
    %broadcast_in_dim3A_179 = arith.constant 1.000000e+00 : f32
    %broadcast_in_dim3A_180 = vector.broadcast %broadcast_in_dim3A_179 : f32 to vector<16xf32>
    %swap3A_181 = arith.constant 464 : index
    %swap3A_182 = tpu.vector_load %arg8[%swap3A_181] {strides = array<i32>} : memref<512xf32, #tpu.memory_space<vmem>>, vector<16xf32>,
    %swap3A_183 = vector.shape_cast %swap3A_182 : vector<16xf32> to vector<16xf32>
    %swap3A_184 = vector.shape_cast %broadcast_in_dim3A_180 : vector<16xf32> to vector<16xf32>
    tpu.vector_store %arg8[%swap3A_181], %swap3A_184 {strides = array<i32>} : memref<512xf32, #tpu.memory_space<vmem>>, vector<16xf32>,
    %broadcast_in_dim3A_185 = arith.constant 1.000000e+00 : f32
    %broadcast_in_dim3A_186 = vector.broadcast %broadcast_in_dim3A_185 : f32 to vector<16xf32>
    %swap3A_187 = arith.constant 480 : index
    %swap3A_188 = tpu.vector_load %arg8[%swap3A_187] {strides = array<i32>} : memref<512xf32, #tpu.memory_space<vmem>>, vector<16xf32>,
    %swap3A_189 = vector.shape_cast %swap3A_188 : vector<16xf32> to vector<16xf32>
    %swap3A_190 = vector.shape_cast %broadcast_in_dim3A_186 : vector<16xf32> to vector<16xf32>
    tpu.vector_store %arg8[%swap3A_187], %swap3A_190 {strides = array<i32>} : memref<512xf32, #tpu.memory_space<vmem>>, vector<16xf32>,
    %broadcast_in_dim3A_191 = arith.constant 1.000000e+00 : f32
    %broadcast_in_dim3A_192 = vector.broadcast %broadcast_in_dim3A_191 : f32 to vector<16xf32>
    %swap3A_193 = arith.constant 496 : index
    %swap3A_194 = tpu.vector_load %arg8[%swap3A_193] {strides = array<i32>} : memref<512xf32, #tpu.memory_space<vmem>>, vector<16xf32>,
    %swap3A_195 = vector.shape_cast %swap3A_194 : vector<16xf32> to vector<16xf32>
    %swap3A_196 = vector.shape_cast %broadcast_in_dim3A_192 : vector<16xf32> to vector<16xf32>
    tpu.vector_store %arg8[%swap3A_193], %swap3A_196 {strides = array<i32>} : memref<512xf32, #tpu.memory_space<vmem>>, vector<16xf32>,
    %broadcast_in_dim3A_197 = arith.constant 0.000000e+00 : f32
    %broadcast_in_dim3A_198 = vector.broadcast %broadcast_in_dim3A_197 : f32 to vector<16xf32>
    %swap3A_199 = arith.constant 0 : index
    %swap3A_200 = tpu.vector_load %arg9[%swap3A_199] {strides = array<i32>} : memref<512xf32, #tpu.memory_space<vmem>>, vector<16xf32>,
    %swap3A_201 = vector.shape_cast %swap3A_200 : vector<16xf32> to vector<16xf32>
    %swap3A_202 = vector.shape_cast %broadcast_in_dim3A_198 : vector<16xf32> to vector<16xf32>
    tpu.vector_store %arg9[%swap3A_199], %swap3A_202 {strides = array<i32>} : memref<512xf32, #tpu.memory_space<vmem>>, vector<16xf32>,
    %broadcast_in_dim3A_203 = arith.constant 0.000000e+00 : f32
    %broadcast_in_dim3A_204 = vector.broadcast %broadcast_in_dim3A_203 : f32 to vector<16xf32>
    %swap3A_205 = arith.constant 16 : index
    %swap3A_206 = tpu.vector_load %arg9[%swap3A_205] {strides = array<i32>} : memref<512xf32, #tpu.memory_space<vmem>>, vector<16xf32>,
    %swap3A_207 = vector.shape_cast %swap3A_206 : vector<16xf32> to vector<16xf32>
    %swap3A_208 = vector.shape_cast %broadcast_in_dim3A_204 : vector<16xf32> to vector<16xf32>
    tpu.vector_store %arg9[%swap3A_205], %swap3A_208 {strides = array<i32>} : memref<512xf32, #tpu.memory_space<vmem>>, vector<16xf32>,
    %broadcast_in_dim3A_209 = arith.constant 0.000000e+00 : f32
    %broadcast_in_dim3A_210 = vector.broadcast %broadcast_in_dim3A_209 : f32 to vector<16xf32>
    %swap3A_211 = arith.constant 32 : index
    %swap3A_212 = tpu.vector_load %arg9[%swap3A_211] {strides = array<i32>} : memref<512xf32, #tpu.memory_space<vmem>>, vector<16xf32>,
    %swap3A_213 = vector.shape_cast %swap3A_212 : vector<16xf32> to vector<16xf32>
    %swap3A_214 = vector.shape_cast %broadcast_in_dim3A_210 : vector<16xf32> to vector<16xf32>
    tpu.vector_store %arg9[%swap3A_211], %swap3A_214 {strides = array<i32>} : memref<512xf32, #tpu.memory_space<vmem>>, vector<16xf32>,
    %broadcast_in_dim3A_215 = arith.constant 0.000000e+00 : f32
    %broadcast_in_dim3A_216 = vector.broadcast %broadcast_in_dim3A_215 : f32 to vector<16xf32>
    %swap3A_217 = arith.constant 48 : index
    %swap3A_218 = tpu.vector_load %arg9[%swap3A_217] {strides = array<i32>} : memref<512xf32, #tpu.memory_space<vmem>>, vector<16xf32>,
    %swap3A_219 = vector.shape_cast %swap3A_218 : vector<16xf32> to vector<16xf32>
    %swap3A_220 = vector.shape_cast %broadcast_in_dim3A_216 : vector<16xf32> to vector<16xf32>
    tpu.vector_store %arg9[%swap3A_217], %swap3A_220 {strides = array<i32>} : memref<512xf32, #tpu.memory_space<vmem>>, vector<16xf32>,
    %broadcast_in_dim3A_221 = arith.constant 0.000000e+00 : f32
    %broadcast_in_dim3A_222 = vector.broadcast %broadcast_in_dim3A_221 : f32 to vector<16xf32>
    %swap3A_223 = arith.constant 64 : index
    %swap3A_224 = tpu.vector_load %arg9[%swap3A_223] {strides = array<i32>} : memref<512xf32, #tpu.memory_space<vmem>>, vector<16xf32>,
    %swap3A_225 = vector.shape_cast %swap3A_224 : vector<16xf32> to vector<16xf32>
    %swap3A_226 = vector.shape_cast %broadcast_in_dim3A_222 : vector<16xf32> to vector<16xf32>
    tpu.vector_store %arg9[%swap3A_223], %swap3A_226 {strides = array<i32>} : memref<512xf32, #tpu.memory_space<vmem>>, vector<16xf32>,
    %broadcast_in_dim3A_227 = arith.constant 0.000000e+00 : f32
    %broadcast_in_dim3A_228 = vector.broadcast %broadcast_in_dim3A_227 : f32 to vector<16xf32>
    %swap3A_229 = arith.constant 80 : index
    %swap3A_230 = tpu.vector_load %arg9[%swap3A_229] {strides = array<i32>} : memref<512xf32, #tpu.memory_space<vmem>>, vector<16xf32>,
    %swap3A_231 = vector.shape_cast %swap3A_230 : vector<16xf32> to vector<16xf32>
    %swap3A_232 = vector.shape_cast %broadcast_in_dim3A_228 : vector<16xf32> to vector<16xf32>
    tpu.vector_store %arg9[%swap3A_229], %swap3A_232 {strides = array<i32>} : memref<512xf32, #tpu.memory_space<vmem>>, vector<16xf32>,
    %broadcast_in_dim3A_233 = arith.constant 0.000000e+00 : f32
    %broadcast_in_dim3A_234 = vector.broadcast %broadcast_in_dim3A_233 : f32 to vector<16xf32>
    %swap3A_235 = arith.constant 96 : index
    %swap3A_236 = tpu.vector_load %arg9[%swap3A_235] {strides = array<i32>} : memref<512xf32, #tpu.memory_space<vmem>>, vector<16xf32>,
    %swap3A_237 = vector.shape_cast %swap3A_236 : vector<16xf32> to vector<16xf32>
    %swap3A_238 = vector.shape_cast %broadcast_in_dim3A_234 : vector<16xf32> to vector<16xf32>
    tpu.vector_store %arg9[%swap3A_235], %swap3A_238 {strides = array<i32>} : memref<512xf32, #tpu.memory_space<vmem>>, vector<16xf32>,
    %broadcast_in_dim3A_239 = arith.constant 0.000000e+00 : f32
    %broadcast_in_dim3A_240 = vector.broadcast %broadcast_in_dim3A_239 : f32 to vector<16xf32>
    %swap3A_241 = arith.constant 112 : index
    %swap3A_242 = tpu.vector_load %arg9[%swap3A_241] {strides = array<i32>} : memref<512xf32, #tpu.memory_space<vmem>>, vector<16xf32>,
    %swap3A_243 = vector.shape_cast %swap3A_242 : vector<16xf32> to vector<16xf32>
    %swap3A_244 = vector.shape_cast %broadcast_in_dim3A_240 : vector<16xf32> to vector<16xf32>
    tpu.vector_store %arg9[%swap3A_241], %swap3A_244 {strides = array<i32>} : memref<512xf32, #tpu.memory_space<vmem>>, vector<16xf32>,
    %broadcast_in_dim3A_245 = arith.constant 0.000000e+00 : f32
    %broadcast_in_dim3A_246 = vector.broadcast %broadcast_in_dim3A_245 : f32 to vector<16xf32>
    %swap3A_247 = arith.constant 128 : index
    %swap3A_248 = tpu.vector_load %arg9[%swap3A_247] {strides = array<i32>} : memref<512xf32, #tpu.memory_space<vmem>>, vector<16xf32>,
    %swap3A_249 = vector.shape_cast %swap3A_248 : vector<16xf32> to vector<16xf32>
    %swap3A_250 = vector.shape_cast %broadcast_in_dim3A_246 : vector<16xf32> to vector<16xf32>
    tpu.vector_store %arg9[%swap3A_247], %swap3A_250 {strides = array<i32>} : memref<512xf32, #tpu.memory_space<vmem>>, vector<16xf32>,
    %broadcast_in_dim3A_251 = arith.constant 0.000000e+00 : f32
    %broadcast_in_dim3A_252 = vector.broadcast %broadcast_in_dim3A_251 : f32 to vector<16xf32>
    %swap3A_253 = arith.constant 144 : index
    %swap3A_254 = tpu.vector_load %arg9[%swap3A_253] {strides = array<i32>} : memref<512xf32, #tpu.memory_space<vmem>>, vector<16xf32>,
    %swap3A_255 = vector.shape_cast %swap3A_254 : vector<16xf32> to vector<16xf32>
    %swap3A_256 = vector.shape_cast %broadcast_in_dim3A_252 : vector<16xf32> to vector<16xf32>
    tpu.vector_store %arg9[%swap3A_253], %swap3A_256 {strides = array<i32>} : memref<512xf32, #tpu.memory_space<vmem>>, vector<16xf32>,
    %broadcast_in_dim3A_257 = arith.constant 0.000000e+00 : f32
    %broadcast_in_dim3A_258 = vector.broadcast %broadcast_in_dim3A_257 : f32 to vector<16xf32>
    %swap3A_259 = arith.constant 160 : index
    %swap3A_260 = tpu.vector_load %arg9[%swap3A_259] {strides = array<i32>} : memref<512xf32, #tpu.memory_space<vmem>>, vector<16xf32>,
    %swap3A_261 = vector.shape_cast %swap3A_260 : vector<16xf32> to vector<16xf32>
    %swap3A_262 = vector.shape_cast %broadcast_in_dim3A_258 : vector<16xf32> to vector<16xf32>
    tpu.vector_store %arg9[%swap3A_259], %swap3A_262 {strides = array<i32>} : memref<512xf32, #tpu.memory_space<vmem>>, vector<16xf32>,
    %broadcast_in_dim3A_263 = arith.constant 0.000000e+00 : f32
    %broadcast_in_dim3A_264 = vector.broadcast %broadcast_in_dim3A_263 : f32 to vector<16xf32>
    %swap3A_265 = arith.constant 176 : index
    %swap3A_266 = tpu.vector_load %arg9[%swap3A_265] {strides = array<i32>} : memref<512xf32, #tpu.memory_space<vmem>>, vector<16xf32>,
    %swap3A_267 = vector.shape_cast %swap3A_266 : vector<16xf32> to vector<16xf32>
    %swap3A_268 = vector.shape_cast %broadcast_in_dim3A_264 : vector<16xf32> to vector<16xf32>
    tpu.vector_store %arg9[%swap3A_265], %swap3A_268 {strides = array<i32>} : memref<512xf32, #tpu.memory_space<vmem>>, vector<16xf32>,
    %broadcast_in_dim3A_269 = arith.constant 0.000000e+00 : f32
    %broadcast_in_dim3A_270 = vector.broadcast %broadcast_in_dim3A_269 : f32 to vector<16xf32>
    %swap3A_271 = arith.constant 192 : index
    %swap3A_272 = tpu.vector_load %arg9[%swap3A_271] {strides = array<i32>} : memref<512xf32, #tpu.memory_space<vmem>>, vector<16xf32>,
    %swap3A_273 = vector.shape_cast %swap3A_272 : vector<16xf32> to vector<16xf32>
    %swap3A_274 = vector.shape_cast %broadcast_in_dim3A_270 : vector<16xf32> to vector<16xf32>
    tpu.vector_store %arg9[%swap3A_271], %swap3A_274 {strides = array<i32>} : memref<512xf32, #tpu.memory_space<vmem>>, vector<16xf32>,
    %broadcast_in_dim3A_275 = arith.constant 0.000000e+00 : f32
    %broadcast_in_dim3A_276 = vector.broadcast %broadcast_in_dim3A_275 : f32 to vector<16xf32>
    %swap3A_277 = arith.constant 208 : index
    %swap3A_278 = tpu.vector_load %arg9[%swap3A_277] {strides = array<i32>} : memref<512xf32, #tpu.memory_space<vmem>>, vector<16xf32>,
    %swap3A_279 = vector.shape_cast %swap3A_278 : vector<16xf32> to vector<16xf32>
    %swap3A_280 = vector.shape_cast %broadcast_in_dim3A_276 : vector<16xf32> to vector<16xf32>
    tpu.vector_store %arg9[%swap3A_277], %swap3A_280 {strides = array<i32>} : memref<512xf32, #tpu.memory_space<vmem>>, vector<16xf32>,
    %broadcast_in_dim3A_281 = arith.constant 0.000000e+00 : f32
    %broadcast_in_dim3A_282 = vector.broadcast %broadcast_in_dim3A_281 : f32 to vector<16xf32>
    %swap3A_283 = arith.constant 224 : index
    %swap3A_284 = tpu.vector_load %arg9[%swap3A_283] {strides = array<i32>} : memref<512xf32, #tpu.memory_space<vmem>>, vector<16xf32>,
    %swap3A_285 = vector.shape_cast %swap3A_284 : vector<16xf32> to vector<16xf32>
    %swap3A_286 = vector.shape_cast %broadcast_in_dim3A_282 : vector<16xf32> to vector<16xf32>
    tpu.vector_store %arg9[%swap3A_283], %swap3A_286 {strides = array<i32>} : memref<512xf32, #tpu.memory_space<vmem>>, vector<16xf32>,
    %broadcast_in_dim3A_287 = arith.constant 0.000000e+00 : f32
    %broadcast_in_dim3A_288 = vector.broadcast %broadcast_in_dim3A_287 : f32 to vector<16xf32>
    %swap3A_289 = arith.constant 240 : index
    %swap3A_290 = tpu.vector_load %arg9[%swap3A_289] {strides = array<i32>} : memref<512xf32, #tpu.memory_space<vmem>>, vector<16xf32>,
    %swap3A_291 = vector.shape_cast %swap3A_290 : vector<16xf32> to vector<16xf32>
    %swap3A_292 = vector.shape_cast %broadcast_in_dim3A_288 : vector<16xf32> to vector<16xf32>
    tpu.vector_store %arg9[%swap3A_289], %swap3A_292 {strides = array<i32>} : memref<512xf32, #tpu.memory_space<vmem>>, vector<16xf32>,
    %broadcast_in_dim3A_293 = arith.constant 0.000000e+00 : f32
    %broadcast_in_dim3A_294 = vector.broadcast %broadcast_in_dim3A_293 : f32 to vector<16xf32>
    %swap3A_295 = arith.constant 256 : index
    %swap3A_296 = tpu.vector_load %arg9[%swap3A_295] {strides = array<i32>} : memref<512xf32, #tpu.memory_space<vmem>>, vector<16xf32>,
    %swap3A_297 = vector.shape_cast %swap3A_296 : vector<16xf32> to vector<16xf32>
    %swap3A_298 = vector.shape_cast %broadcast_in_dim3A_294 : vector<16xf32> to vector<16xf32>
    tpu.vector_store %arg9[%swap3A_295], %swap3A_298 {strides = array<i32>} : memref<512xf32, #tpu.memory_space<vmem>>, vector<16xf32>,
    %broadcast_in_dim3A_299 = arith.constant 0.000000e+00 : f32
    %broadcast_in_dim3A_300 = vector.broadcast %broadcast_in_dim3A_299 : f32 to vector<16xf32>
    %swap3A_301 = arith.constant 272 : index
    %swap3A_302 = tpu.vector_load %arg9[%swap3A_301] {strides = array<i32>} : memref<512xf32, #tpu.memory_space<vmem>>, vector<16xf32>,
    %swap3A_303 = vector.shape_cast %swap3A_302 : vector<16xf32> to vector<16xf32>
    %swap3A_304 = vector.shape_cast %broadcast_in_dim3A_300 : vector<16xf32> to vector<16xf32>
    tpu.vector_store %arg9[%swap3A_301], %swap3A_304 {strides = array<i32>} : memref<512xf32, #tpu.memory_space<vmem>>, vector<16xf32>,
    %broadcast_in_dim3A_305 = arith.constant 0.000000e+00 : f32
    %broadcast_in_dim3A_306 = vector.broadcast %broadcast_in_dim3A_305 : f32 to vector<16xf32>
    %swap3A_307 = arith.constant 288 : index
    %swap3A_308 = tpu.vector_load %arg9[%swap3A_307] {strides = array<i32>} : memref<512xf32, #tpu.memory_space<vmem>>, vector<16xf32>,
    %swap3A_309 = vector.shape_cast %swap3A_308 : vector<16xf32> to vector<16xf32>
    %swap3A_310 = vector.shape_cast %broadcast_in_dim3A_306 : vector<16xf32> to vector<16xf32>
    tpu.vector_store %arg9[%swap3A_307], %swap3A_310 {strides = array<i32>} : memref<512xf32, #tpu.memory_space<vmem>>, vector<16xf32>,
    %broadcast_in_dim3A_311 = arith.constant 0.000000e+00 : f32
    %broadcast_in_dim3A_312 = vector.broadcast %broadcast_in_dim3A_311 : f32 to vector<16xf32>
    %swap3A_313 = arith.constant 304 : index
    %swap3A_314 = tpu.vector_load %arg9[%swap3A_313] {strides = array<i32>} : memref<512xf32, #tpu.memory_space<vmem>>, vector<16xf32>,
    %swap3A_315 = vector.shape_cast %swap3A_314 : vector<16xf32> to vector<16xf32>
    %swap3A_316 = vector.shape_cast %broadcast_in_dim3A_312 : vector<16xf32> to vector<16xf32>
    tpu.vector_store %arg9[%swap3A_313], %swap3A_316 {strides = array<i32>} : memref<512xf32, #tpu.memory_space<vmem>>, vector<16xf32>,
    %broadcast_in_dim3A_317 = arith.constant 0.000000e+00 : f32
    %broadcast_in_dim3A_318 = vector.broadcast %broadcast_in_dim3A_317 : f32 to vector<16xf32>
    %swap3A_319 = arith.constant 320 : index
    %swap3A_320 = tpu.vector_load %arg9[%swap3A_319] {strides = array<i32>} : memref<512xf32, #tpu.memory_space<vmem>>, vector<16xf32>,
    %swap3A_321 = vector.shape_cast %swap3A_320 : vector<16xf32> to vector<16xf32>
    %swap3A_322 = vector.shape_cast %broadcast_in_dim3A_318 : vector<16xf32> to vector<16xf32>
    tpu.vector_store %arg9[%swap3A_319], %swap3A_322 {strides = array<i32>} : memref<512xf32, #tpu.memory_space<vmem>>, vector<16xf32>,
    %broadcast_in_dim3A_323 = arith.constant 0.000000e+00 : f32
    %broadcast_in_dim3A_324 = vector.broadcast %broadcast_in_dim3A_323 : f32 to vector<16xf32>
    %swap3A_325 = arith.constant 336 : index
    %swap3A_326 = tpu.vector_load %arg9[%swap3A_325] {strides = array<i32>} : memref<512xf32, #tpu.memory_space<vmem>>, vector<16xf32>,
    %swap3A_327 = vector.shape_cast %swap3A_326 : vector<16xf32> to vector<16xf32>
    %swap3A_328 = vector.shape_cast %broadcast_in_dim3A_324 : vector<16xf32> to vector<16xf32>
    tpu.vector_store %arg9[%swap3A_325], %swap3A_328 {strides = array<i32>} : memref<512xf32, #tpu.memory_space<vmem>>, vector<16xf32>,
    %broadcast_in_dim3A_329 = arith.constant 0.000000e+00 : f32
    %broadcast_in_dim3A_330 = vector.broadcast %broadcast_in_dim3A_329 : f32 to vector<16xf32>
    %swap3A_331 = arith.constant 352 : index
    %swap3A_332 = tpu.vector_load %arg9[%swap3A_331] {strides = array<i32>} : memref<512xf32, #tpu.memory_space<vmem>>, vector<16xf32>,
    %swap3A_333 = vector.shape_cast %swap3A_332 : vector<16xf32> to vector<16xf32>
    %swap3A_334 = vector.shape_cast %broadcast_in_dim3A_330 : vector<16xf32> to vector<16xf32>
    tpu.vector_store %arg9[%swap3A_331], %swap3A_334 {strides = array<i32>} : memref<512xf32, #tpu.memory_space<vmem>>, vector<16xf32>,
    %broadcast_in_dim3A_335 = arith.constant 0.000000e+00 : f32
    %broadcast_in_dim3A_336 = vector.broadcast %broadcast_in_dim3A_335 : f32 to vector<16xf32>
    %swap3A_337 = arith.constant 368 : index
    %swap3A_338 = tpu.vector_load %arg9[%swap3A_337] {strides = array<i32>} : memref<512xf32, #tpu.memory_space<vmem>>, vector<16xf32>,
    %swap3A_339 = vector.shape_cast %swap3A_338 : vector<16xf32> to vector<16xf32>
    %swap3A_340 = vector.shape_cast %broadcast_in_dim3A_336 : vector<16xf32> to vector<16xf32>
    tpu.vector_store %arg9[%swap3A_337], %swap3A_340 {strides = array<i32>} : memref<512xf32, #tpu.memory_space<vmem>>, vector<16xf32>,
    %broadcast_in_dim3A_341 = arith.constant 0.000000e+00 : f32
    %broadcast_in_dim3A_342 = vector.broadcast %broadcast_in_dim3A_341 : f32 to vector<16xf32>
    %swap3A_343 = arith.constant 384 : index
    %swap3A_344 = tpu.vector_load %arg9[%swap3A_343] {strides = array<i32>} : memref<512xf32, #tpu.memory_space<vmem>>, vector<16xf32>,
    %swap3A_345 = vector.shape_cast %swap3A_344 : vector<16xf32> to vector<16xf32>
    %swap3A_346 = vector.shape_cast %broadcast_in_dim3A_342 : vector<16xf32> to vector<16xf32>
    tpu.vector_store %arg9[%swap3A_343], %swap3A_346 {strides = array<i32>} : memref<512xf32, #tpu.memory_space<vmem>>, vector<16xf32>,
    %broadcast_in_dim3A_347 = arith.constant 0.000000e+00 : f32
    %broadcast_in_dim3A_348 = vector.broadcast %broadcast_in_dim3A_347 : f32 to vector<16xf32>
    %swap3A_349 = arith.constant 400 : index
    %swap3A_350 = tpu.vector_load %arg9[%swap3A_349] {strides = array<i32>} : memref<512xf32, #tpu.memory_space<vmem>>, vector<16xf32>,
    %swap3A_351 = vector.shape_cast %swap3A_350 : vector<16xf32> to vector<16xf32>
    %swap3A_352 = vector.shape_cast %broadcast_in_dim3A_348 : vector<16xf32> to vector<16xf32>
    tpu.vector_store %arg9[%swap3A_349], %swap3A_352 {strides = array<i32>} : memref<512xf32, #tpu.memory_space<vmem>>, vector<16xf32>,
    %broadcast_in_dim3A_353 = arith.constant 0.000000e+00 : f32
    %broadcast_in_dim3A_354 = vector.broadcast %broadcast_in_dim3A_353 : f32 to vector<16xf32>
    %swap3A_355 = arith.constant 416 : index
    %swap3A_356 = tpu.vector_load %arg9[%swap3A_355] {strides = array<i32>} : memref<512xf32, #tpu.memory_space<vmem>>, vector<16xf32>,
    %swap3A_357 = vector.shape_cast %swap3A_356 : vector<16xf32> to vector<16xf32>
    %swap3A_358 = vector.shape_cast %broadcast_in_dim3A_354 : vector<16xf32> to vector<16xf32>
    tpu.vector_store %arg9[%swap3A_355], %swap3A_358 {strides = array<i32>} : memref<512xf32, #tpu.memory_space<vmem>>, vector<16xf32>,
    %broadcast_in_dim3A_359 = arith.constant 0.000000e+00 : f32
    %broadcast_in_dim3A_360 = vector.broadcast %broadcast_in_dim3A_359 : f32 to vector<16xf32>
    %swap3A_361 = arith.constant 432 : index
    %swap3A_362 = tpu.vector_load %arg9[%swap3A_361] {strides = array<i32>} : memref<512xf32, #tpu.memory_space<vmem>>, vector<16xf32>,
    %swap3A_363 = vector.shape_cast %swap3A_362 : vector<16xf32> to vector<16xf32>
    %swap3A_364 = vector.shape_cast %broadcast_in_dim3A_360 : vector<16xf32> to vector<16xf32>
    tpu.vector_store %arg9[%swap3A_361], %swap3A_364 {strides = array<i32>} : memref<512xf32, #tpu.memory_space<vmem>>, vector<16xf32>,
    %broadcast_in_dim3A_365 = arith.constant 0.000000e+00 : f32
    %broadcast_in_dim3A_366 = vector.broadcast %broadcast_in_dim3A_365 : f32 to vector<16xf32>
    %swap3A_367 = arith.constant 448 : index
    %swap3A_368 = tpu.vector_load %arg9[%swap3A_367] {strides = array<i32>} : memref<512xf32, #tpu.memory_space<vmem>>, vector<16xf32>,
    %swap3A_369 = vector.shape_cast %swap3A_368 : vector<16xf32> to vector<16xf32>
    %swap3A_370 = vector.shape_cast %broadcast_in_dim3A_366 : vector<16xf32> to vector<16xf32>
    tpu.vector_store %arg9[%swap3A_367], %swap3A_370 {strides = array<i32>} : memref<512xf32, #tpu.memory_space<vmem>>, vector<16xf32>,
    %broadcast_in_dim3A_371 = arith.constant 0.000000e+00 : f32
    %broadcast_in_dim3A_372 = vector.broadcast %broadcast_in_dim3A_371 : f32 to vector<16xf32>
    %swap3A_373 = arith.constant 464 : index
    %swap3A_374 = tpu.vector_load %arg9[%swap3A_373] {strides = array<i32>} : memref<512xf32, #tpu.memory_space<vmem>>, vector<16xf32>,
    %swap3A_375 = vector.shape_cast %swap3A_374 : vector<16xf32> to vector<16xf32>
    %swap3A_376 = vector.shape_cast %broadcast_in_dim3A_372 : vector<16xf32> to vector<16xf32>
    tpu.vector_store %arg9[%swap3A_373], %swap3A_376 {strides = array<i32>} : memref<512xf32, #tpu.memory_space<vmem>>, vector<16xf32>,
    %broadcast_in_dim3A_377 = arith.constant 0.000000e+00 : f32
    %broadcast_in_dim3A_378 = vector.broadcast %broadcast_in_dim3A_377 : f32 to vector<16xf32>
    %swap3A_379 = arith.constant 480 : index
    %swap3A_380 = tpu.vector_load %arg9[%swap3A_379] {strides = array<i32>} : memref<512xf32, #tpu.memory_space<vmem>>, vector<16xf32>,
    %swap3A_381 = vector.shape_cast %swap3A_380 : vector<16xf32> to vector<16xf32>
    %swap3A_382 = vector.shape_cast %broadcast_in_dim3A_378 : vector<16xf32> to vector<16xf32>
    tpu.vector_store %arg9[%swap3A_379], %swap3A_382 {strides = array<i32>} : memref<512xf32, #tpu.memory_space<vmem>>, vector<16xf32>,
    %broadcast_in_dim3A_383 = arith.constant 0.000000e+00 : f32
    %broadcast_in_dim3A_384 = vector.broadcast %broadcast_in_dim3A_383 : f32 to vector<16xf32>
    %swap3A_385 = arith.constant 496 : index
    %swap3A_386 = tpu.vector_load %arg9[%swap3A_385] {strides = array<i32>} : memref<512xf32, #tpu.memory_space<vmem>>, vector<16xf32>,
    %swap3A_387 = vector.shape_cast %swap3A_386 : vector<16xf32> to vector<16xf32>
    %swap3A_388 = vector.shape_cast %broadcast_in_dim3A_384 : vector<16xf32> to vector<16xf32>
    tpu.vector_store %arg9[%swap3A_385], %swap3A_388 {strides = array<i32>} : memref<512xf32, #tpu.memory_space<vmem>>, vector<16xf32>,
    %mul3A_389 = arith.constant 512 : i32
    %mul3A_390 = arith.muli %arg1, %mul3A_389 : i32
    "tpu.region"() ({
      %run_scoped3A = tpu.sem_alloc : memref<!tpu.dma_semaphore, #tpu.memory_space<semaphore_mem>>
      %dma_start3A_394 = tpu.memref_slice %arg10[%mul3A_390] : memref<8192xf32, #tpu.memory_space<vmem_shared>> -> memref<512xf32, #tpu.memory_space<vmem_shared>>
      %dma_start3A_395 = tpu.memref_slice %arg10[%mul3A_390] : memref<8192xf32, #tpu.memory_space<vmem_shared>> -> memref<512xf32, #tpu.memory_space<vmem_shared>>
      tpu.enqueue_dma source(%arg9 : memref<512xf32, #tpu.memory_space<vmem>>) target(%dma_start3A_395 : memref<512xf32, #tpu.memory_space<vmem_shared>>) target_semaphore(%run_scoped3A : memref<!tpu.dma_semaphore, #tpu.memory_space<semaphore_mem>>)
      %dma_wait3A_396 = tpu.memref_slice %arg10[%mul3A_390] : memref<8192xf32, #tpu.memory_space<vmem_shared>> -> memref<512xf32, #tpu.memory_space<vmem_shared>>
      %dma_wait3A_397 = tpu.memref_slice %arg10[%mul3A_390] : memref<8192xf32, #tpu.memory_space<vmem_shared>> -> memref<512xf32, #tpu.memory_space<vmem_shared>>
      tpu.wait_dma2 semaphore(%run_scoped3A : memref<!tpu.dma_semaphore, #tpu.memory_space<semaphore_mem>>) src(%arg9 : memref<512xf32, #tpu.memory_space<vmem>>) dst(%dma_wait3A_397 : memref<512xf32, #tpu.memory_space<vmem_shared>>)
      tpu.yield
    }) : () -> ()
    %barrier3A = arith.constant 0 : index
    tpu.barrier barrier_id(%barrier3A)
    "tpu.region"() ({
      %run_scoped3A = tpu.sem_alloc : memref<!tpu.dma_semaphore, #tpu.memory_space<semaphore_mem>>
      %dma_start3A_394 = arith.constant 0 : i32
      %dma_start3A_395 = tpu.memref_slice %arg10[%dma_start3A_394] : memref<8192xf32, #tpu.memory_space<vmem_shared>> -> memref<8192xf32, #tpu.memory_space<vmem_shared>>
      tpu.enqueue_indirect_dma source(%arg8 : memref<512xf32, #tpu.memory_space<vmem>>) target(%dma_start3A_395 : memref<8192xf32, #tpu.memory_space<vmem_shared>>) offsets(%arg6 : memref<512xi32, #tpu.memory_space<vmem>>) semaphore(%run_scoped3A : memref<!tpu.dma_semaphore, #tpu.memory_space<semaphore_mem>>) {add = true}
      %dma_wait3A_396 = arith.constant 0 : i32
      %dma_wait3A_397 = tpu.memref_slice %arg10[%dma_wait3A_396] : memref<8192xf32, #tpu.memory_space<vmem_shared>> -> memref<8192xf32, #tpu.memory_space<vmem_shared>>
      tpu.wait_indirect_dma semaphore(%run_scoped3A : memref<!tpu.dma_semaphore, #tpu.memory_space<semaphore_mem>>) src(%arg8 : memref<512xf32, #tpu.memory_space<vmem>>) dst(%dma_wait3A_397 : memref<8192xf32, #tpu.memory_space<vmem_shared>>)
      tpu.yield
    }) : () -> ()
    %barrier3A_391 = arith.constant 0 : index
    tpu.barrier barrier_id(%barrier3A_391)
    %eq3A = arith.constant 0 : i32
    %eq3A_392 = arith.cmpi eq, %arg1, %eq3A : i32
    %convert_element_type3A = arith.extui %eq3A_392 : i1 to i32
    %cond3A = arith.constant 0 : i32
    %cond3A_393 = arith.cmpi ne, %convert_element_type3A, %cond3A : i32
    scf.if %cond3A_393 {
      "tpu.region"() ({
        %run_scoped3A = tpu.sem_alloc : memref<!tpu.dma_semaphore, #tpu.memory_space<semaphore_mem>>
        %dma_start3A_394 = arith.constant 0 : i32
        %dma_start3A_395 = tpu.memref_slice %arg5[%arg0, %dma_start3A_394] : memref<2x8192xf32, #tpu.memory_space<hbm>> -> memref<1x8192xf32, #tpu.memory_space<hbm>>
        %dma_start3A_396 = tpu.memref_squeeze %dma_start3A_395 : memref<1x8192xf32, #tpu.memory_space<hbm>> -> memref<8192xf32, #tpu.memory_space<hbm>>
        tpu.enqueue_dma source(%arg10 : memref<8192xf32, #tpu.memory_space<vmem_shared>>) target(%dma_start3A_396 : memref<8192xf32, #tpu.memory_space<hbm>>) target_semaphore(%run_scoped3A : memref<!tpu.dma_semaphore, #tpu.memory_space<semaphore_mem>>)
        %dma_wait3A_397 = arith.constant 0 : i32
        %dma_wait3A_398 = tpu.memref_slice %arg5[%arg0, %dma_wait3A_397] : memref<2x8192xf32, #tpu.memory_space<hbm>> -> memref<1x8192xf32, #tpu.memory_space<hbm>>
        %dma_wait3A_399 = tpu.memref_squeeze %dma_wait3A_398 : memref<1x8192xf32, #tpu.memory_space<hbm>> -> memref<8192xf32, #tpu.memory_space<hbm>>
        tpu.wait_dma2 semaphore(%run_scoped3A : memref<!tpu.dma_semaphore, #tpu.memory_space<semaphore_mem>>) src(%arg10 : memref<8192xf32, #tpu.memory_space<vmem_shared>>) dst(%dma_wait3A_399 : memref<8192xf32, #tpu.memory_space<hbm>>)
        tpu.yield
      }) : () -> ()
    } else {
    }
    return
  }
}

module attributes {stable_mosaic.version = 14 : i64} {
  func.func @_argmin_body(%arg0: i32, %arg1: memref<512x1xf32, #tpu.memory_space<vmem>>, %arg2: memref<512x32xbf16, #tpu.memory_space<vmem>>, %arg3: memref<32x8192xf32, #tpu.memory_space<vmem>>, %arg4: memref<32x8192xbf16, #tpu.memory_space<vmem>>, %arg5: memref<512x1xi32, #tpu.memory_space<vmem>>) attributes {dimension_semantics = [#tpu.dimension_semantics<parallel>], iteration_bounds = array<i64: 32>, scalar_prefetch = 0 : i64, scratch_operands = 0 : i64, tpu.core_type = #tpu.core_type<tc>, window_params = [{transform_indices = @transform_0, window_bounds = array<i64: 512, 1>}, {transform_indices = @transform_1, window_bounds = array<i64: 512, 32>}, {pipeline_mode = #tpu.pipeline_mode<synchronous>, transform_indices = @transform_2, window_bounds = array<i64: 32, 8192>}, {pipeline_mode = #tpu.pipeline_mode<synchronous>, transform_indices = @transform_3, window_bounds = array<i64: 32, 8192>}, {transform_indices = @transform_4, window_bounds = array<i64: 512, 1>}]} {
    %get3A = arith.constant 0 : index
    %get3A_0 = arith.constant 0 : index
    %get3A_1 = vector.load %arg1[%get3A, %get3A_0] : memref<512x1xf32, #tpu.memory_space<vmem>>, vector<512x1xf32>
    %get3A_2 = arith.constant 0 : index
    %get3A_3 = arith.constant 0 : index
    %get3A_4 = vector.load %arg2[%get3A_2, %get3A_3] : memref<512x32xbf16, #tpu.memory_space<vmem>>, vector<512x32xbf16>
    %get3A_5 = arith.constant 0 : index
    %get3A_6 = arith.constant 0 : index
    %get3A_7 = vector.load %arg3[%get3A_5, %get3A_6] : memref<32x8192xf32, #tpu.memory_space<vmem>>, vector<32x4096xf32>
    %get3A_8 = arith.constant 0 : index
    %get3A_9 = arith.constant 0 : index
    %get3A_10 = vector.load %arg4[%get3A_8, %get3A_9] : memref<32x8192xbf16, #tpu.memory_space<vmem>>, vector<32x4096xbf16>
    %mul3A = arith.mulf %get3A_7, %get3A_7 : vector<32x4096xf32>
    %reduce_sum3A = arith.constant dense<0.000000e+00> : vector<4096xf32>
    %reduce_sum3A_11 = vector.multi_reduction <add>, %mul3A, %reduce_sum3A [0] : vector<32x4096xf32> to vector<4096xf32>
    %broadcast_in_dim3A = vector.shape_cast %reduce_sum3A_11 : vector<4096xf32> to vector<1x4096xf32>
    %dot_general3A = arith.constant dense<0.000000e+00> : vector<512x4096xf32>
    %dot_general3A_12 = tpu.matmul %get3A_4, %get3A_10, %dot_general3A {dimension_numbers = #tpu.dot_dimension_numbers<[1], [0], [0], [1], [0, 0, 1, 1], [], []>, transpose_lhs_hint = false} : vector<512x32xbf16>, vector<32x4096xbf16>, vector<512x4096xf32> -> vector<512x4096xf32>
    %add3A = vector.broadcast %get3A_1 : vector<512x1xf32> to vector<512x4096xf32>
    %add3A_13 = vector.broadcast %broadcast_in_dim3A : vector<1x4096xf32> to vector<512x4096xf32>
    %add3A_14 = arith.addf %add3A, %add3A_13 : vector<512x4096xf32>
    %sub3A = arith.subf %add3A_14, %dot_general3A_12 : vector<512x4096xf32>
    %reduce_min3A = arith.constant dense<0x7F800000> : vector<512xf32>
    %reduce_min3A_15 = vector.multi_reduction <minimumf>, %sub3A, %reduce_min3A [1] : vector<512x4096xf32> to vector<512xf32>
    %broadcast_in_dim3A_16 = vector.shape_cast %reduce_min3A_15 : vector<512xf32> to vector<512x1xf32>
    %iota3A = tpu.iota {dimensions = array<i32: 1>} : vector<512x4096xi32>
    %eq3A = vector.broadcast %broadcast_in_dim3A_16 : vector<512x1xf32> to vector<512x4096xf32>
    %eq3A_17 = arith.cmpf oeq, %sub3A, %eq3A : vector<512x4096xf32>
    %jit3A = arith.constant 1073741824 : i32
    %broadcast_in_dim3A_18 = vector.broadcast %jit3A : i32 to vector<512x4096xi32>
    %select_n3A = arith.select %eq3A_17, %iota3A, %broadcast_in_dim3A_18 : vector<512x4096xi1>, vector<512x4096xi32>
    %reduce_min3A_19 = arith.constant dense<2147483647> : vector<512xi32>
    %reduce_min3A_20 = vector.multi_reduction <minsi>, %select_n3A, %reduce_min3A_19 [1] : vector<512x4096xi32> to vector<512xi32>
    %broadcast_in_dim3A_21 = vector.shape_cast %reduce_min3A_20 : vector<512xi32> to vector<512x1xi32>
    %add3A_22 = arith.constant 0 : i32
    %add3A_23 = vector.broadcast %add3A_22 : i32 to vector<512x1xi32>
    %add3A_24 = arith.addi %broadcast_in_dim3A_21, %add3A_23 : vector<512x1xi32>
    %convert_element_type3A = arith.truncf %broadcast_in_dim3A_16 : vector<512x1xf32> to vector<512x1xbf16>
    %convert_element_type3A_25 = arith.extf %convert_element_type3A : vector<512x1xbf16> to vector<512x1xf32>
    %get3A_26 = arith.constant 0 : index
    %get3A_27 = arith.constant 4096 : index
    %get3A_28 = vector.load %arg3[%get3A_26, %get3A_27] : memref<32x8192xf32, #tpu.memory_space<vmem>>, vector<32x4096xf32>
    %get3A_29 = arith.constant 0 : index
    %get3A_30 = arith.constant 4096 : index
    %get3A_31 = vector.load %arg4[%get3A_29, %get3A_30] : memref<32x8192xbf16, #tpu.memory_space<vmem>>, vector<32x4096xbf16>
    %mul3A_32 = arith.mulf %get3A_28, %get3A_28 : vector<32x4096xf32>
    %reduce_sum3A_33 = arith.constant dense<0.000000e+00> : vector<4096xf32>
    %reduce_sum3A_34 = vector.multi_reduction <add>, %mul3A_32, %reduce_sum3A_33 [0] : vector<32x4096xf32> to vector<4096xf32>
    %broadcast_in_dim3A_35 = vector.shape_cast %reduce_sum3A_34 : vector<4096xf32> to vector<1x4096xf32>
    %dot_general3A_36 = arith.constant dense<0.000000e+00> : vector<512x4096xf32>
    %dot_general3A_37 = tpu.matmul %get3A_4, %get3A_31, %dot_general3A_36 {dimension_numbers = #tpu.dot_dimension_numbers<[1], [0], [0], [1], [0, 0, 1, 1], [], []>, transpose_lhs_hint = false} : vector<512x32xbf16>, vector<32x4096xbf16>, vector<512x4096xf32> -> vector<512x4096xf32>
    %add3A_38 = vector.broadcast %get3A_1 : vector<512x1xf32> to vector<512x4096xf32>
    %add3A_39 = vector.broadcast %broadcast_in_dim3A_35 : vector<1x4096xf32> to vector<512x4096xf32>
    %add3A_40 = arith.addf %add3A_38, %add3A_39 : vector<512x4096xf32>
    %sub3A_41 = arith.subf %add3A_40, %dot_general3A_37 : vector<512x4096xf32>
    %reduce_min3A_42 = arith.constant dense<0x7F800000> : vector<512xf32>
    %reduce_min3A_43 = vector.multi_reduction <minimumf>, %sub3A_41, %reduce_min3A_42 [1] : vector<512x4096xf32> to vector<512xf32>
    %broadcast_in_dim3A_44 = vector.shape_cast %reduce_min3A_43 : vector<512xf32> to vector<512x1xf32>
    %iota3A_45 = tpu.iota {dimensions = array<i32: 1>} : vector<512x4096xi32>
    %eq3A_46 = vector.broadcast %broadcast_in_dim3A_44 : vector<512x1xf32> to vector<512x4096xf32>
    %eq3A_47 = arith.cmpf oeq, %sub3A_41, %eq3A_46 : vector<512x4096xf32>
    %jit3A_48 = arith.constant 1073741824 : i32
    %broadcast_in_dim3A_49 = vector.broadcast %jit3A_48 : i32 to vector<512x4096xi32>
    %select_n3A_50 = arith.select %eq3A_47, %iota3A_45, %broadcast_in_dim3A_49 : vector<512x4096xi1>, vector<512x4096xi32>
    %reduce_min3A_51 = arith.constant dense<2147483647> : vector<512xi32>
    %reduce_min3A_52 = vector.multi_reduction <minsi>, %select_n3A_50, %reduce_min3A_51 [1] : vector<512x4096xi32> to vector<512xi32>
    %broadcast_in_dim3A_53 = vector.shape_cast %reduce_min3A_52 : vector<512xi32> to vector<512x1xi32>
    %add3A_54 = arith.constant 4096 : i32
    %add3A_55 = vector.broadcast %add3A_54 : i32 to vector<512x1xi32>
    %add3A_56 = arith.addi %broadcast_in_dim3A_53, %add3A_55 : vector<512x1xi32>
    %lt3A = arith.cmpf olt, %broadcast_in_dim3A_44, %convert_element_type3A_25 : vector<512x1xf32>
    %select_n3A_57 = arith.select %lt3A, %add3A_56, %add3A_24 : vector<512x1xi1>, vector<512x1xi32>
    %swap3A = arith.constant 0 : index
    %swap3A_58 = arith.constant 0 : index
    %swap3A_59 = vector.load %arg5[%swap3A, %swap3A_58] : memref<512x1xi32, #tpu.memory_space<vmem>>, vector<512x1xi32>
    tpu.vector_store %arg5[%swap3A, %swap3A_58], %select_n3A_57 {strides = array<i32>} : memref<512x1xi32, #tpu.memory_space<vmem>>, vector<512x1xi32>,
    return
  }
  func.func @transform_0(%arg0: i32) -> (i32, i32) {
    %c0_i32 = arith.constant 0 : i32
    %c0_i32_0 = arith.constant 0 : i32
    return %arg0, %c0_i32 : i32, i32
  }
  func.func @transform_1(%arg0: i32) -> (i32, i32) {
    %c0_i32 = arith.constant 0 : i32
    %c0_i32_0 = arith.constant 0 : i32
    return %arg0, %c0_i32 : i32, i32
  }
  func.func @transform_2(%arg0: i32) -> (i32, i32) {
    %c0_i32 = arith.constant 0 : i32
    %c0_i32_0 = arith.constant 0 : i32
    %c0_i32_1 = arith.constant 0 : i32
    return %c0_i32, %c0_i32_0 : i32, i32
  }
  func.func @transform_3(%arg0: i32) -> (i32, i32) {
    %c0_i32 = arith.constant 0 : i32
    %c0_i32_0 = arith.constant 0 : i32
    %c0_i32_1 = arith.constant 0 : i32
    return %c0_i32, %c0_i32_0 : i32, i32
  }
  func.func @transform_4(%arg0: i32) -> (i32, i32) {
    %c0_i32 = arith.constant 0 : i32
    %c0_i32_0 = arith.constant 0 : i32
    return %arg0, %c0_i32 : i32, i32
  }
}

module attributes {stable_mosaic.version = 14 : i64} {
  func.func @_finalize_body(%arg0: i32, %arg1: memref<1024x512xf32, #tpu.memory_space<vmem>>, %arg2: memref<1024x512xf32, #tpu.memory_space<vmem>>, %arg3: memref<2x8192xf32, #tpu.memory_space<vmem>>, %arg4: memref<1x1xf32, #tpu.memory_space<vmem>>, %arg5: memref<1x1xf32, #tpu.memory_space<vmem>>) attributes {dimension_semantics = [#tpu.dimension_semantics<arbitrary>], iteration_bounds = array<i64: 1>, scalar_prefetch = 0 : i64, scratch_operands = 0 : i64, tpu.core_type = #tpu.core_type<tc>, window_params = [{pipeline_mode = #tpu.pipeline_mode<synchronous>, transform_indices = @transform_0, window_bounds = array<i64: 1024, 512>}, {pipeline_mode = #tpu.pipeline_mode<synchronous>, transform_indices = @transform_1, window_bounds = array<i64: 1024, 512>}, {pipeline_mode = #tpu.pipeline_mode<synchronous>, transform_indices = @transform_2, window_bounds = array<i64: 2, 8192>}, {pipeline_mode = #tpu.pipeline_mode<synchronous>, transform_indices = @transform_3, window_bounds = array<i64: 1, 1>}, {pipeline_mode = #tpu.pipeline_mode<synchronous>, transform_indices = @transform_4, window_bounds = array<i64: 1, 1>}]} {
    %get3A = arith.constant 0 : index
    %get3A_0 = arith.constant 0 : index
    %get3A_1 = vector.load %arg1[%get3A, %get3A_0] : memref<1024x512xf32, #tpu.memory_space<vmem>>, vector<1024x512xf32>
    %get3A_2 = arith.constant 0 : index
    %get3A_3 = arith.constant 0 : index
    %get3A_4 = vector.load %arg2[%get3A_2, %get3A_3] : memref<1024x512xf32, #tpu.memory_space<vmem>>, vector<1024x512xf32>
    %sub3A = arith.subf %get3A_1, %get3A_4 : vector<1024x512xf32>
    %mul3A = arith.mulf %sub3A, %sub3A : vector<1024x512xf32>
    %reduce_sum3A = vector.shape_cast %mul3A : vector<1024x512xf32> to vector<1x1024x512xf32>
    %reduce_sum3A_5 = arith.constant dense<0.000000e+00> : vector<1xf32>
    %reduce_sum3A_6 = vector.multi_reduction <add>, %reduce_sum3A, %reduce_sum3A_5 [1, 2] : vector<1x1024x512xf32> to vector<1xf32>
    %reduce_sum3A_7 = vector.shape_cast %reduce_sum3A_6 : vector<1xf32> to vector<1x1x1xf32>
    %reduce_sum3A_8 = vector.extract %reduce_sum3A_7[0, 0, 0] : f32 from vector<1x1x1xf32>
    %div3A = arith.constant 5.242880e+05 : f32
    %div3A_9 = arith.divf %reduce_sum3A_8, %div3A : f32
    %mul3A_10 = arith.constant 2.500000e-01 : f32
    %mul3A_11 = arith.mulf %mul3A_10, %div3A_9 : f32
    %broadcast_in_dim3A = vector.broadcast %mul3A_11 : f32 to vector<1x1xf32>
    %swap3A = arith.constant 0 : index
    %swap3A_12 = arith.constant 0 : index
    %swap3A_13 = vector.load %arg4[%swap3A, %swap3A_12] : memref<1x1xf32, #tpu.memory_space<vmem>>, vector<1x1xf32>
    tpu.vector_store %arg4[%swap3A, %swap3A_12], %broadcast_in_dim3A {strides = array<i32>} : memref<1x1xf32, #tpu.memory_space<vmem>>, vector<1x1xf32>,
    %get3A_14 = arith.constant 0 : index
    %get3A_15 = arith.constant 0 : index
    %get3A_16 = vector.load %arg3[%get3A_14, %get3A_15] : memref<2x8192xf32, #tpu.memory_space<vmem>>, vector<1x8192xf32>
    %get3A_17 = arith.constant 1 : index
    %get3A_18 = arith.constant 0 : index
    %get3A_19 = vector.load %arg3[%get3A_17, %get3A_18] : memref<2x8192xf32, #tpu.memory_space<vmem>>, vector<1x8192xf32>
    %add3A = arith.addf %get3A_16, %get3A_19 : vector<1x8192xf32>
    %div3A_20 = arith.constant 1.638400e+04 : f32
    %div3A_21 = vector.broadcast %div3A_20 : f32 to vector<1x8192xf32>
    %div3A_22 = arith.divf %add3A, %div3A_21 : vector<1x8192xf32>
    %add3A_23 = arith.constant 1.000000e-10 : f32
    %add3A_24 = vector.broadcast %add3A_23 : f32 to vector<1x8192xf32>
    %add3A_25 = arith.addf %div3A_22, %add3A_24 : vector<1x8192xf32>
    %log3A = math.log %add3A_25 : vector<1x8192xf32>
    %mul3A_26 = arith.mulf %div3A_22, %log3A : vector<1x8192xf32>
    %reduce_sum3A_27 = vector.shape_cast %mul3A_26 : vector<1x8192xf32> to vector<1x1x8192xf32>
    %reduce_sum3A_28 = arith.constant dense<0.000000e+00> : vector<1xf32>
    %reduce_sum3A_29 = vector.multi_reduction <add>, %reduce_sum3A_27, %reduce_sum3A_28 [1, 2] : vector<1x1x8192xf32> to vector<1xf32>
    %reduce_sum3A_30 = vector.shape_cast %reduce_sum3A_29 : vector<1xf32> to vector<1x1x1xf32>
    %reduce_sum3A_31 = vector.extract %reduce_sum3A_30[0, 0, 0] : f32 from vector<1x1x1xf32>
    %neg3A = arith.constant 0.000000e+00 : f32
    %neg3A_32 = arith.subf %neg3A, %reduce_sum3A_31 : f32
    %exp3A = math.exp %neg3A_32 : f32
    %broadcast_in_dim3A_33 = vector.broadcast %exp3A : f32 to vector<1x1xf32>
    %swap3A_34 = arith.constant 0 : index
    %swap3A_35 = arith.constant 0 : index
    %swap3A_36 = vector.load %arg5[%swap3A_34, %swap3A_35] : memref<1x1xf32, #tpu.memory_space<vmem>>, vector<1x1xf32>
    tpu.vector_store %arg5[%swap3A_34, %swap3A_35], %broadcast_in_dim3A_33 {strides = array<i32>} : memref<1x1xf32, #tpu.memory_space<vmem>>, vector<1x1xf32>,
    return
  }
  func.func @transform_0(%arg0: i32) -> (i32, i32) {
    %c0_i32 = arith.constant 0 : i32
    %c0_i32_0 = arith.constant 0 : i32
    %c0_i32_1 = arith.constant 0 : i32
    return %c0_i32, %c0_i32_0 : i32, i32
  }
  func.func @transform_1(%arg0: i32) -> (i32, i32) {
    %c0_i32 = arith.constant 0 : i32
    %c0_i32_0 = arith.constant 0 : i32
    %c0_i32_1 = arith.constant 0 : i32
    return %c0_i32, %c0_i32_0 : i32, i32
  }
  func.func @transform_2(%arg0: i32) -> (i32, i32) {
    %c0_i32 = arith.constant 0 : i32
    %c0_i32_0 = arith.constant 0 : i32
    %c0_i32_1 = arith.constant 0 : i32
    return %c0_i32, %c0_i32_0 : i32, i32
  }
  func.func @transform_3(%arg0: i32) -> (i32, i32) {
    %c0_i32 = arith.constant 0 : i32
    %c0_i32_0 = arith.constant 0 : i32
    %c0_i32_1 = arith.constant 0 : i32
    return %c0_i32, %c0_i32_0 : i32, i32
  }
  func.func @transform_4(%arg0: i32) -> (i32, i32) {
    %c0_i32 = arith.constant 0 : i32
    %c0_i32_0 = arith.constant 0 : i32
    %c0_i32_1 = arith.constant 0 : i32
    return %c0_i32, %c0_i32_0 : i32, i32
  }
}

</mosaic_0001>

<sc_bundles>
// kernel: kernel.5.cloned.1.call-start
scs
__scs_entry_jumppad:
0x0: {  	(pc) =	sbr.rel $0x88, $3  }
0x1: {  	(tag) =	ssettag $0x0;
	lr =	simm.s32 $0x1  }
0x2: {  	[smem:$0x3F9F] =	sst lr;
	_ =	strace $0xD0000000  }
0x3: {  	_ = 	snop  }
0x4: {  	_ = 	snop  }
0x5: {  	_ = 	snop  }
0x6: {  	_ = 	snop  }
0x7: {  	_ = 	snop  }
__scs_overlays_trampoline_lowered:
0x8: {  	[smem:$0x3FAE] =	sst s0  }
0x9: {  	[smem:$0x3FAF] =	sst s1  }
0xa: {  	[smem:$0x3FB0] =	sst s2  }
0xb: {  	[smem:$0x3FB1] =	sst s3  }
0xc: {  	[smem:$0x3FB2] =	sst s4  }
0xd: {  	[smem:$0x3FB3] =	sst s5  }
0xe: {  	[smem:$0x3FB4] =	sst s6  }
0xf: {  	[smem:$0x3FB5] =	sst s7  }
0x10: {  	[smem:$0x3FB6] =	sst s8  }
0x11: {  	[smem:$0x3FB7] =	sst s9;
	s0 =	simm.s32 @!p0 $0x0  }
0x12: {  	s1 =	sld [smem:$0x3F9D];
	s0 =	simm.s32 @p0 $0x1  }
0x13: {  	[smem:$0x3FB8] =	sst s0;
	s0 =	simm.s32 @!p1 $0x0  }
0x14: {  	s2 =	sld [smem:$0x3F9C];
	s0 =	simm.s32 @p1 $0x1  }
0x15: {  	[smem:$0x3FB9] =	sst s0;
	s0 =	simm.s32 @!p2 $0x0  }
0x16: {  	s3 =	sld [smem:$0x3FDB];
	s0 =	simm.s32 @p2 $0x1  }
0x17: {  	s4 =	simm.s32 $0x1BF5;
	[smem:$0x3FBB] =	sst s0  }
0x18: {  	s0 =	sld [smem:$0x3F9E];
	_ =	swait.ge [sflag:s4], $0x0  }
0x19: {  	s7 =	sld [smem:$0x3F9F]  }
0x1a: {  	s8 =	sadd.s32 $0xFFFFE003, lr  }
0x1b: {  	s9 =	sadd.s32 $0xFFFFFEF7, lr;
	s5 =	simm.s32 $0xFFFFFFFF;
	p2 =	slt.u32 s8, $0xFFFFF086  }
0x1c: {  	p1 =	slt.u32 s9, $0xF7A;
	s5 =	simm.s32 @!p2 $0x0  }
0x1d: {  	s5 =	simm.s32 @p1 $0x1;
	p0 =	seq.s32 s7, s2  }
0x1e: {  	s7 =	smul.u32 @!p0 $0xF7A, s2;
	p2 =	seq.s32 @!p0 s5, $0x0  }
0x1f: {  	s9 =	smul.u32 $0xF7A, s1;
	s8 =	simm.s32 @!p0 $0x1BF5;
	p2 =	por !p2, p0  }
0x20: {  	[sflag:s8] =	ssyncset.s32 @!p0 $0xFFFFF086;
	s6 =	sadd.s32 @!p0 s3, s7;
	s7 =	simm.s32 @!p0 $0x108  }
0x21: {  	s3 =	sadd.s32 s3, s9;
	s6 =	sadd.s32 @!p0 $0x88, s6;
	s7 =	simm.s32 @p2 $0x1082  }
0x22: {  	[simem:s7], [sflag:s8] =	dma.local @!p0 [hbm:s6], $0xF7A  }
0x23: {  	s9 =	sor.u32 $0xD0000000, s2;
	s6 =	simm.s32 $0x108;
	_ =	swait.ge @!p0 [sflag:s8], $0x0  }
0x24: {  	s3 =	sadd.s32 $0x88, s3;
	s6 =	simm.s32 @!p1 $0x1082;
	[sflag:s4] =	ssyncset.s32 $0xFFFFF086  }
0x25: {  	[simem:s6], [sflag:s4] =	dma.local [hbm:s3], $0xF7A  }
0x26: {  	[smem:$0x3F9F] =	sst s1;
	(tag) =	ssettag s2;
	_ =	strace s9  }
0x27: {  	s1 =	sld [smem:$0x3FAF]  }
0x28: {  	s2 =	sld [smem:$0x3FB0]  }
0x29: {  	s4 =	sld [smem:$0x3FB2]  }
0x2a: {  	p0 =	seq.s32 s5, $0x0;
	s5 =	sld [smem:$0x3FB3]  }
0x2b: {  	s6 =	sld [smem:$0x3FB4]  }
0x2c: {  	s7 =	sld [smem:$0x3FB5]  }
0x2d: {  	s3 =	simm.s32 $0x108;
	s8 =	sld [smem:$0x3FB6]  }
0x2e: {  	s3 =	simm.s32 @!p0 $0x1082;
	s9 =	sld [smem:$0x3FB7]  }
0x2f: {  	lr =	sadd.s32 s0, s3;
	s0 =	sld [smem:$0x3FAE]  }
0x30: {  	s3 =	sld [smem:$0x3FB1]  }
0x31: {  	[smem:$0x3FBA] =	sst s10  }
0x32: {  	s10 =	sld [smem:$0x3FB8];
	_ =	sdelay $0x3  }
0x33: {  	p0 =	seq.s32 s10, $0x1;
	s10 =	sld [smem:$0x3FBA];
	_ =	sdelay $0x3  }
0x34: {  	[smem:$0x3FBA] =	sst s10  }
0x35: {  	s10 =	sld [smem:$0x3FB9];
	_ =	sdelay $0x3  }
0x36: {  	p1 =	seq.s32 s10, $0x1;
	s10 =	sld [smem:$0x3FBA];
	_ =	sdelay $0x3  }
0x37: {  	[smem:$0x3FBA] =	sst s10  }
0x38: {  	s10 =	sld [smem:$0x3FBB]  }
0x39: {  	_ = 	snop;
	(pc) =	sbr.ind lr, $3  }
0x3a: {  	_ = 	snop  }
0x3b: {  	_ = 	snop  }
0x3c: {  	p2 =	seq.s32 s10, $0x1;
	s10 =	sld [smem:$0x3FBA]  }
0x3d: {  	_ =	shalt  }
0x3e: {  	_ =	shalt  }
0x3f: {  	_ =	shalt  }
0x40: {  	_ =	shalt  }
0x41: {  	_ =	shalt  }
0x42: {  	_ =	shalt  }
0x43: {  	_ =	shalt  }
0x44: {  	_ =	shalt  }
0x45: {  	_ =	shalt  }
0x46: {  	_ =	shalt  }
0x47: {  	_ =	shalt  }
0x48: {  	_ =	shalt  }
0x49: {  	_ =	shalt  }
0x4a: {  	_ =	shalt  }
0x4b: {  	_ =	shalt  }
0x4c: {  	_ =	shalt  }
0x4d: {  	_ =	shalt  }
0x4e: {  	_ =	shalt  }
0x4f: {  	_ =	shalt  }
0x50: {  	_ =	shalt  }
0x51: {  	_ =	shalt  }
0x52: {  	_ =	shalt  }
0x53: {  	_ =	shalt  }
0x54: {  	_ =	shalt  }
0x55: {  	_ =	shalt  }
0x56: {  	_ =	shalt  }
0x57: {  	_ =	shalt  }
0x58: {  	_ =	shalt  }
0x59: {  	_ =	shalt  }
0x5a: {  	_ =	shalt  }
0x5b: {  	_ =	shalt  }
0x5c: {  	_ =	shalt  }
0x5d: {  	_ =	shalt  }
0x5e: {  	_ =	shalt  }
0x5f: {  	_ =	shalt  }
0x60: {  	_ =	shalt  }
0x61: {  	_ =	shalt  }
0x62: {  	_ =	shalt  }
0x63: {  	_ =	shalt  }
0x64: {  	_ =	shalt  }
0x65: {  	_ =	shalt  }
0x66: {  	_ =	shalt  }
0x67: {  	_ =	shalt  }
0x68: {  	_ =	shalt  }
0x69: {  	_ =	shalt  }
0x6a: {  	_ =	shalt  }
0x6b: {  	_ =	shalt  }
0x6c: {  	_ =	shalt  }
0x6d: {  	_ =	shalt  }
0x6e: {  	_ =	shalt  }
0x6f: {  	_ =	shalt  }
0x70: {  	_ =	shalt  }
0x71: {  	_ =	shalt  }
0x72: {  	_ =	shalt  }
0x73: {  	_ =	shalt  }
0x74: {  	_ =	shalt  }
0x75: {  	_ =	shalt  }
0x76: {  	_ =	shalt  }
0x77: {  	_ =	shalt  }
0x78: {  	_ =	shalt  }
0x79: {  	_ =	shalt  }
0x7a: {  	_ =	shalt  }
0x7b: {  	_ =	shalt  }
0x7c: {  	_ =	shalt  }
0x7d: {  	_ =	shalt  }
0x7e: {  	_ =	shalt  }
0x7f: {  	_ =	shalt  }
0x80: {  	_ =	shalt  }
0x81: {  	_ =	shalt  }
0x82: {  	_ =	shalt  }
0x83: {  	_ =	shalt  }
0x84: {  	_ =	shalt  }
0x85: {  	_ =	shalt  }
0x86: {  	_ =	shalt  }
0x87: {  	_ =	shalt  }
.Lfunc_end0:
.L_simem_size_0:
called_computation_lowered:
.L_overlay_start_0:
0x88: {  	s2 =	sld [smem:$0x3FD9]  }
0x89: {  	s3 =	sld [smem:$0x3FFE];
	_ =	sdelay $0x1  }
0x8a: {  	s1 =	srdreg.scid  }
0x8b: {  	s0 =	sand.u32 $0x1, s1  }
0x8c: {  	s14 =	sshll.u32 s0, $0xA;
	s2 =	sadd.s32 s3, s2  }
0x8d: {  	s2 =	sadd.s32 s2, s14  }
0x8e: {  	[smem:$0x3FC6] =	sst s2  }
0x8f: {  	_ = 	snop  }
0x90: {  	s2 =	sld [smem:$0x3FD0];
	_ =	sdelay $0x2  }
0x91: {  	s15 =	simm.s32 $0xA;
	s4 =	simm.s32 $0x10  }
0x92: {  	[smem:s4], [sflag:s15] =	dma.local [hbm:s2], $0x1  }
0x93: {  	_ =	swait.eq [sflag:s15], $0x1  }
0x94: {  	[sflag:s15] =	ssyncset.done $0x0  }
0x95: {  	[sflag:s15] =	ssyncadd.s32 $0xFFFFFFFF  }
0x96: {  	s16 =	sld [smem:$0x10];
	(tm) =	ssettm $0x1  }
0x97: {  	s17 =	sld [smem:$0x3FFB];
	_ =	sdelay $0x3  }
0x98: {  	_ =	strace s17  }
0x99: {  	s3 =	sld [smem:$0x3FFC];
	_ =	sdelay $0x3  }
0x9a: {  	_ =	strace s3  }
0x9b: {  	s3 =	sld [smem:$0x3FFD];
	_ =	sdelay $0x3  }
0x9c: {  	_ =	strace s3  }
0x9d: {  	_ =	strace $0x8FFFFFFF  }
0x9e: {  	s18 =	sld [smem:$0x3FDB];
	_ =	sdelay $0x1  }
0x9f: {  	s19 =	simm.s32 $_scs_section_size  }
0xa0: {  	s5 =	simm.s32 $_size__tile_overlayer_lowered;
	s6 =	simm.s32 $_tile_overlayer_lowered  }
0xa1: {  	s22 =	simm.s32 $0x1BFF;
	s21 =	sshll.u32 s6, $0x1;
	s3 =	sadd.s32 s19, s18  }
0xa2: {  	s7 =	simm.s32 $0x0;
	s20 =	sshll.u32 s5, $0x1;
	s5 =	sadd.s32 s21, s3  }
0xa3: {  	[timem:s7], [sflag:s22] =	dma.local [hbm:s5], s20  }
0xa4: {  	_ =	swait.ge [sflag:s22], s20  }
0xa5: {  	s4 =	ssub.s32 $0x0, s20;
	[sflag:s22] =	ssyncset.done $0x0  }
0xa6: {  	[sflag:s22] =	ssyncadd.s32 s4;
	_ =	sdelay $0x1  }
0xa7: {  	s23 =	simm.s32 $0x1B8B  }
0xa8: {  	_ =	swait.ge [sflag:s23], $0x1  }
0xa9: {  	[sflag:s23] =	ssyncset.done $0x0  }
0xaa: {  	s25 =	simm.s32 $0x1B8E;
	s24 =	sld [smem:$0x3FFE];
	[sflag:s23] =	ssyncadd.s32 $0xFFFFFFFF  }
0xab: {  	s26 =	simm.s32 $execute0_lowered;
	[smem:$0x3FD2] =	sst s25  }
0xac: {  	s5 =	sshll.u32 s26, $0x1;
	_ =	strace $0x80000046;
	[dreg:$0x1] =	wrdreg $0xFFFFFFFF  }
0xad: {  	s28 =	simm.s32 $_size_execute0_lowered;
	s3 =	sadd.s32 s3, s5;
	[dreg:$0x0] =	wrdreg $0x0  }
0xae: {  	s5 =	sshll.u32 s28, $0x1;
	[dreg:$0x2] =	wrdreg s3  }
0xaf: {  	[dreg:$0x3] =	wrdreg s5  }
0xb0: {  	[dreg:$0x4] =	wrdreg $0xC0  }
0xb1: {  	_ =	task [dreg:s7], $0x5FFFF  }
0xb2: {  	[dreg:$0x1] =	wrdreg $0xFFFFFFFF  }
0xb3: {  	[dreg:$0x0] =	wrdreg $0x60  }
0xb4: {  	[dreg:$0x2] =	wrdreg s24  }
0xb5: {  	[dreg:$0x3] =	wrdreg s16  }
0xb6: {  	[dreg:$0x4] =	wrdreg $0x46000  }
0xb7: {  	[dreg:$0x5] =	wrdreg $0x9  }
0xb8: {  	_ =	task.clear_ibuf [dreg:s7], $0x6FFFF;
	_ =	strace $0x90000046  }
0xb9: {  	s29 =	simm.s32 $0x9;
	_ =	strace $0x80000048  }
0xba: {  	_ =	swait.ge [sflag:s29], $0x1  }
0xbb: {  	[sflag:s29] =	ssyncadd.s32 $0xFFFFFFFF  }
0xbc: {  	_ =	strace $0x90000048  }
0xbd: {  	_ =	sfence  }
0xbe: {  	s30 =	sld [smem:$0x0];
	_ =	sdelay $0x2  }
0xbf: {  	s31 =	sshll.u32 s1, $0xD;
	s1 =	sshrl.u32 s1, $0x2  }
0xc0: {  	s3 =	sand.u32 $0x4000, s31;
	s1 =	sadd.s32 s1, s30  }
0xc1: {  	s0 =	sor.u32 s3, s0;
	s1 =	sshll.u32 s1, $0x11  }
0xc2: {  	s0 =	sor.u32 s1, s0  }
0xc3: {  	s0 =	sadd.s32 $0x8F2B, s0  }
0xc4: {  	[sflag:s0] =	ssyncadd.remote.s32 $0x1  }
0xc5: {  	_ =	sfence.sel $0xFFFF  }
0xc6: {  	[dreg:$0x0] =	wrdreg $0xFFFFFFFF;
	(pc) =	sbr.abs _section_cstart, $3  }
0xc7: {  	[dreg:$0x1] =	wrdreg $0xFFFFFFFF  }
0xc8: {  	_ =	task.clear_ibuf [dreg:s7], $0x2FFFF;
	_ =	strace $0x9FFFFFFF  }
0xc9: {  	(tm) =	ssettm $0x7FFFFFFF  }
tec
execute0_lowered:
.L_overlay_start_1:
0x0: {  	(tag) =	ssettag $0x1  }
0x1: {  	s4 =	rddreg [dreg:$0x0]  }
0x2: {  	s5 =	rddreg [dreg:$0x1]  }
0x3: {  	s1 =	rddreg [dreg:$0x2]  }
0x4: {  	s0 =	rddreg [dreg:$0x3];
	s3 =	srdreg.scid  }
0x5: {  	s2 =	simm.s32 $0x0;
	s9 =	stileid.u32;
	s12 =	simm.s32 $0x4400  }
0x6: {  	s13 =	simm.s32 $0x4200;
	s6 =	sand.u32 $0x1, s3;
	[smem:$0x7FF] =	sst s2  }
0x7: {  	s7 =	sshll.u32 s9, $0xA;
	s3 =	sadd.s32 $0xC00, s4;
	s31 =	sshll.u32 s9, $0x9  }
0x8: {  	p0 =	sne.s32 s9, $0x0;
	s9 =	simm.s32 $0x2;
	s8 =	sshll.u32 s6, $0x9  }
0x9: {  	_ =	strace $0x80000047;
	s10 =	sshll.u32 s6, $0xA;
	s6 =	ssub.s32 $0x2, s6  }
0xa: {  	s14 =	sshrl.u32 @!p0 s1, $0x3;
	s7 =	sor.u32 s8, s7;
	s29 =	sshrl.u32 s6, $0x1  }
0xb: {  	s10 =	sadd.s32 s10, s4;
	s8 =	sshrl.u32 s7, $0x3;
	s11 =	ssub.s32 s6, s29  }
0xc: {  	s30 =	sshll.u32 s7, $0x2;
	s6 =	sadd.s32 s31, s1;
	s7 =	sadd.s32 $0x9400, s10  }
0xd: {  	s10 =	simm.s32 $0x200;
	s8 =	sadd.s32 s8, s4;
	s5 =	sadd.s32 s5, s30  }
0xe: {  	v0 =	vimm.f32 $1.000000000e+00;
	v1 =	vimm.f32 $0.0e+00;
	s4 =	sadd.s32 $0x8C00, s8;
	s8 =	smax.u32 s11, $0x1;
	s11 =	simm.s32 $0x1  }
.LBB2_1:
0xf: {  	[tilespmem:s2], [sflag:$0x2] =	stream.linear.gather [hbm4b:s4+s2], $0x200, $0x38;
	[tilespmem:$0x4800] =	vst v63  }
0x10: {  	_ =	swait.ge [sflag:s9], $0x200  }
0x11: {  	[sflag:s9] =	ssyncset.done $0x0  }
0x12: {  	[sflag:s9] =	ssyncadd.s32 $0xFFFFFE00  }
0x13: {  	[tilespmem:s10], [sflag:$0x1] =	stream.indirect.gather [hbm4b:s3+s10], $0x20, s2, s10, $0xb8;
	[tilespmem:$0x4800] =	vst v63  }
0x14: {  	_ =	swait.ge [sflag:s11], $0x4000  }
0x15: {  	[sflag:s11] =	ssyncset.done $0x0  }
0x16: {  	[sflag:s11] =	ssyncadd.s32 $0xFFFFC000  }
0x17: {  	[hbm4b:s5+s2] =	stream.linear.scatter [tilespmem:s10], [sflag:$0x2], $0x4000, $0x38;
	[tilespmem:$0x4800] =	vst v63  }
0x18: {  	_ =	swait.ge [sflag:s9], $0x4000  }
0x19: {  	[sflag:s9] =	ssyncset.done $0x0  }
0x1a: {  	[sflag:s9] =	ssyncadd.s32 $0xFFFFC000  }
0x1b: {  	[tilespmem:$0x4200] =	vst v0  }
0x1c: {  	[tilespmem:$0x4210] =	vst v0  }
0x1d: {  	[tilespmem:$0x4220] =	vst v0  }
0x1e: {  	[tilespmem:$0x4230] =	vst v0  }
0x1f: {  	[tilespmem:$0x4240] =	vst v0  }
0x20: {  	[tilespmem:$0x4250] =	vst v0  }
0x21: {  	[tilespmem:$0x4260] =	vst v0  }
0x22: {  	[tilespmem:$0x4270] =	vst v0  }
0x23: {  	[tilespmem:$0x4280] =	vst v0  }
0x24: {  	[tilespmem:$0x4290] =	vst v0  }
0x25: {  	[tilespmem:$0x42A0] =	vst v0  }
0x26: {  	[tilespmem:$0x42B0] =	vst v0  }
0x27: {  	[tilespmem:$0x42C0] =	vst v0  }
0x28: {  	[tilespmem:$0x42D0] =	vst v0  }
0x29: {  	[tilespmem:$0x42E0] =	vst v0  }
0x2a: {  	[tilespmem:$0x42F0] =	vst v0  }
0x2b: {  	[tilespmem:$0x4300] =	vst v0  }
0x2c: {  	[tilespmem:$0x4310] =	vst v0  }
0x2d: {  	[tilespmem:$0x4320] =	vst v0  }
0x2e: {  	[tilespmem:$0x4330] =	vst v0  }
0x2f: {  	[tilespmem:$0x4340] =	vst v0  }
0x30: {  	[tilespmem:$0x4350] =	vst v0  }
0x31: {  	[tilespmem:$0x4360] =	vst v0  }
0x32: {  	[tilespmem:$0x4370] =	vst v0  }
0x33: {  	[tilespmem:$0x4380] =	vst v0  }
0x34: {  	[tilespmem:$0x4390] =	vst v0  }
0x35: {  	[tilespmem:$0x43A0] =	vst v0  }
0x36: {  	[tilespmem:$0x43B0] =	vst v0  }
0x37: {  	[tilespmem:$0x43C0] =	vst v0  }
0x38: {  	[tilespmem:$0x43D0] =	vst v0  }
0x39: {  	[tilespmem:$0x43E0] =	vst v0  }
0x3a: {  	[tilespmem:$0x43F0] =	vst v0  }
0x3b: {  	[tilespmem:$0x4400] =	vst v1  }
0x3c: {  	[tilespmem:$0x4410] =	vst v1  }
0x3d: {  	[tilespmem:$0x4420] =	vst v1  }
0x3e: {  	[tilespmem:$0x4430] =	vst v1  }
0x3f: {  	[tilespmem:$0x4440] =	vst v1  }
0x40: {  	[tilespmem:$0x4450] =	vst v1  }
0x41: {  	[tilespmem:$0x4460] =	vst v1  }
0x42: {  	[tilespmem:$0x4470] =	vst v1  }
0x43: {  	[tilespmem:$0x4480] =	vst v1  }
0x44: {  	[tilespmem:$0x4490] =	vst v1  }
0x45: {  	[tilespmem:$0x44A0] =	vst v1  }
0x46: {  	[tilespmem:$0x44B0] =	vst v1  }
0x47: {  	[tilespmem:$0x44C0] =	vst v1  }
0x48: {  	[tilespmem:$0x44D0] =	vst v1  }
0x49: {  	[tilespmem:$0x44E0] =	vst v1  }
0x4a: {  	[tilespmem:$0x44F0] =	vst v1  }
0x4b: {  	[tilespmem:$0x4500] =	vst v1  }
0x4c: {  	[tilespmem:$0x4510] =	vst v1  }
0x4d: {  	[tilespmem:$0x4520] =	vst v1  }
0x4e: {  	[tilespmem:$0x4530] =	vst v1  }
0x4f: {  	[tilespmem:$0x4540] =	vst v1  }
0x50: {  	[tilespmem:$0x4550] =	vst v1  }
0x51: {  	[tilespmem:$0x4560] =	vst v1  }
0x52: {  	[tilespmem:$0x4570] =	vst v1  }
0x53: {  	[tilespmem:$0x4580] =	vst v1  }
0x54: {  	[tilespmem:$0x4590] =	vst v1  }
0x55: {  	[tilespmem:$0x45A0] =	vst v1  }
0x56: {  	[tilespmem:$0x45B0] =	vst v1  }
0x57: {  	[tilespmem:$0x45C0] =	vst v1  }
0x58: {  	[tilespmem:$0x45D0] =	vst v1  }
0x59: {  	[tilespmem:$0x45E0] =	vst v1  }
0x5a: {  	[tilespmem:$0x45F0] =	vst v1  }
0x5b: {  	[spmem:s6] =	stream.linear.scatter [tilespmem:s12], [sflag:$0x2], $0x200, $0x38;
	[tilespmem:$0x4800] =	vst v63  }
0x5c: {  	_ =	swait.ge [sflag:s9], $0x200  }
0x5d: {  	[sflag:s9] =	ssyncset.done $0x0  }
0x5e: {  	[sflag:s9] =	ssyncadd.s32 $0xFFFFFE00  }
0x5f: {  	[bflag:$0x0] =	sbarrier.arrive $0xFFFF  }
0x60: {  	[spmem:s1] =	stream.indirect.scatter.add.f32 [tilespmem:s13], [sflag:$0x2], $0x1, s2, s10, $0xb8;
	[tilespmem:$0x4800] =	vst v63  }
0x61: {  	_ =	swait.ge [sflag:s9], $0x200  }
0x62: {  	[sflag:s9] =	ssyncset.done $0x0  }
0x63: {  	s8 =	sadd.s32 $0xFFFFFFFF, s8;
	[sflag:s9] =	ssyncadd.s32 $0xFFFFFE00  }
0x64: {  	s15 =	simm.s32 @!p0 $0x1C02;
	p1 =	sne.s32 s8, $0x0;
	[bflag:$0x0] =	sbarrier.arrive $0xFFFF  }
0x65: {  	[hbm:s7], [sflag:s15] =	dma.local @!p0 [spmem:s14], $0x400  }
.Ltmp0:
0x66: {  	_ = 	snop;
	(pc) =	sbr.rel @p1 .LBB2_1-.Ltmp0, $4  }
0x67: {  	s15 =	simm.s32 @!p0 $0x2  }
0x68: {  	_ =	swait.ge @!p0 [sflag:s15], $0x400  }
0x69: {  	[sflag:s15] =	ssyncset.done @!p0 $0x0  }
0x6a: {  	[sflag:s15] =	ssyncadd.s32 @!p0 $0xFFFFFC00  }
0x6b: {  	_ =	sfence.sel $0x180000  }
0x6c: {  	[bflag:$0x0] =	sbarrier.arrive $0xFFFF  }
0x6d: {  	_ =	strace $0x90000047  }
0x6e: {  	s0 =	sadd.s32 @!p0 $0x100000, s0;
	[bflag:$0x2] =	sbarrier.arrive $0xFFFF  }
0x6f: {  	[sflag:s0] =	ssyncadd.tile.s32 @!p0 $0x1;
	_ =	shalt  }
.Lfunc_end2:
_tile_overlayer_lowered:
.L_overlay_start_2:
0x70: {  	(tag) =	ssettag $0x2  }
0x71: {  	s0 =	rddreg [dreg:$0x0];
	s2 =	stileid.u32  }
0x72: {  	s1 =	rddreg [dreg:$0x1];
	p0 =	sne.s32 s2, $0x0  }
0x73: {  	s3 =	rddreg [dreg:$0x2];
	[bflag:$0x3] =	sbarrier.arrive $0xFFFF;
	s2 =	simm.s32 @!p0 $0x1C02  }
0x74: {  	[timem:s3], [sflag:s2] =	dma.local @!p0 [hbm:s0], s1  }
0x75: {  	s0 =	simm.s32 @!p0 $0x2  }
0x76: {  	_ =	swait.ge @!p0 [sflag:s0], s1  }
0x77: {  	s1 =	ssub.s32 @!p0 $0x0, s1;
	[sflag:s0] =	ssyncset.done @!p0 $0x0  }
0x78: {  	[sflag:s0] =	ssyncadd.s32 @!p0 s1  }
0x79: {  	[bflag:$0x3] =	sbarrier.arrive $0xFFFF  }
0x7a: {  	_ =	shalt  }

</sc_bundles>
